<compile_context>
chip_gen: v7x
topology: tpu7x:2x2x1
jax: 0.10.2.dev20260603
libtpu: 0.0.44.dev20260713+nightly
codegen_flags: <defaults>
</compile_context>

<pallas_src>
import functools

import jax
import jax.numpy as jnp
from jax import lax
from jax.experimental import pallas as pl
from jax.experimental.pallas import tpu as pltpu
from jax.experimental.pallas import tpu_sc as plsc

NUM_HIDDENS = 128
MAX_LEN = 32768
N_IDS = 16384

_NC = 2
_NS = 16
_NW = _NC * _NS
_B_PER_W = N_IDS // _NW
_CHUNK = 64
_NCHUNKS = _B_PER_W // _CHUNK

_mesh = plsc.VectorSubcoreMesh(core_axis_name="c", subcore_axis_name="s")


@functools.partial(
    pl.kernel,
    mesh=_mesh,
    out_type=jax.ShapeDtypeStruct((N_IDS, NUM_HIDDENS), jnp.float32),
    scratch_types=[
        pltpu.VMEM((_B_PER_W,), jnp.int32),
        pltpu.VMEM((_B_PER_W, NUM_HIDDENS), jnp.float32),
        pltpu.SemaphoreType.DMA((_NCHUNKS,)),
        pltpu.SemaphoreType.DMA,
    ],
)
def _gather_rows(table_hbm, idx_hbm, out_hbm, idx_v, rows_v, gsem, wsem):
    wid = lax.axis_index("s") * _NC + lax.axis_index("c")
    base = wid * _B_PER_W
    pltpu.sync_copy(idx_hbm.at[pl.ds(base, _B_PER_W)], idx_v)
    gathers = [
        pltpu.async_copy(
            table_hbm.at[idx_v.at[pl.ds(j * _CHUNK, _CHUNK)]],
            rows_v.at[pl.ds(j * _CHUNK, _CHUNK)],
            gsem.at[j],
        )
        for j in range(_NCHUNKS)
    ]
    writes = []
    for j in range(_NCHUNKS):
        gathers[j].wait()
        writes.append(
            pltpu.async_copy(
                rows_v.at[pl.ds(j * _CHUNK, _CHUNK)],
                out_hbm.at[pl.ds(base + j * _CHUNK, _CHUNK)],
                wsem,
            )
        )
    for w in writes:
        w.wait()


def kernel(position_ids, P):
    table = P.reshape(MAX_LEN, NUM_HIDDENS)
    out = _gather_rows(table, position_ids)
    return out.reshape(1, N_IDS, NUM_HIDDENS)

# --- scband reference (transcript-rebuilt; emitter-appended) ---
"""Pipeline reference for scband-trigono-abs-pos-enc-69492570849548 (READ-ONLY COPY).

The authoritative reference and input builder live on the scoring server;
editing this copy changes nothing except your own understanding.
"""

import jax, jax.numpy as jnp
import numpy as np

NUM_HIDDENS = 128
MAX_LEN = 32768
N_IDS = 16384


def _build_table():
    # P[0, k, 2j]   = sin(k / 10000^(2j/d))
    # P[0, k, 2j+1] = cos(k / 10000^(2j/d))
    pos = jnp.arange(MAX_LEN, dtype=jnp.float32).reshape(-1, 1)
    div = jnp.power(10000.0, jnp.arange(0, NUM_HIDDENS, 2, dtype=jnp.float32).reshape(1, -1) / NUM_HIDDENS)
    X = pos / div  # (MAX_LEN, NUM_HIDDENS//2)
    P = jnp.zeros((1, MAX_LEN, NUM_HIDDENS), dtype=jnp.float32)
    P = P.at[0, :, 0::2].set(jnp.sin(X))
    P = P.at[0, :, 1::2].set(jnp.cos(X))
    return P


def setup_inputs(seed: int = 0) -> dict:
    key = jax.random.key(seed)
    position_ids = jax.random.randint(key, (N_IDS,), 0, MAX_LEN, dtype=jnp.int32)
    P = _build_table()
    return {"position_ids": position_ids, "P": P}


def reference(position_ids, P):
    # gather rows of the precomputed sinusoidal table
    return P[:, position_ids, :]

if __name__ == "__main__":
    import jax
    _d = setup_inputs()
    print(jax.jit(kernel)(*tuple(_d.values())))

</pallas_src>

<mosaic_0001>
#map = affine_map<(d0, d1) -> (0, 0)>
#map1 = affine_map<(d0, d1) -> (0)>
module attributes {stable_mosaic.version = 14 : i64} {
  func.func @_gather_rows(%arg0: i32, %arg1: i32, %arg2: memref<32768x128xf32, #tpu.memory_space<hbm>>, %arg3: memref<16384xi32, #tpu.memory_space<hbm>>, %arg4: memref<16384x128xf32, #tpu.memory_space<hbm>>, %arg5: memref<512xi32, #tpu.memory_space<vmem>>, %arg6: memref<512x128xf32, #tpu.memory_space<vmem>>, %arg7: memref<8x!tpu.dma_semaphore, #tpu.memory_space<semaphore_mem>>, %arg8: memref<!tpu.dma_semaphore, #tpu.memory_space<semaphore_mem>>) attributes {dimension_semantics = [#tpu.dimension_semantics<core_parallel>, #tpu.dimension_semantics<subcore_parallel>], iteration_bounds = array<i64: 2, 16>, scalar_prefetch = 0 : i64, scratch_operands = 4 : i64, tpu.core_type = #tpu.core_type<sc_vector_subcore>, window_params = [{transform_indices = #map}, {transform_indices = #map1}, {transform_indices = #map}]} {
    %mul3A = arith.constant 2 : i32
    %mul3A_0 = arith.muli %arg1, %mul3A : i32
    %add3A = arith.addi %mul3A_0, %arg0 : i32
    %mul3A_1 = arith.constant 512 : i32
    %mul3A_2 = arith.muli %add3A, %mul3A_1 : i32
    "tpu.region"() ({
      %run_scoped3A = tpu.sem_alloc : memref<!tpu.dma_semaphore, #tpu.memory_space<semaphore_mem>>
      %dma_start3A_353 = tpu.memref_slice %arg3[%mul3A_2] : memref<16384xi32, #tpu.memory_space<hbm>> -> memref<512xi32, #tpu.memory_space<hbm>>
      %dma_start3A_354 = tpu.memref_slice %arg3[%mul3A_2] : memref<16384xi32, #tpu.memory_space<hbm>> -> memref<512xi32, #tpu.memory_space<hbm>>
      tpu.enqueue_dma source(%dma_start3A_354 : memref<512xi32, #tpu.memory_space<hbm>>) target(%arg5 : memref<512xi32, #tpu.memory_space<vmem>>) target_semaphore(%run_scoped3A : memref<!tpu.dma_semaphore, #tpu.memory_space<semaphore_mem>>)
      %dma_wait3A_355 = tpu.memref_slice %arg3[%mul3A_2] : memref<16384xi32, #tpu.memory_space<hbm>> -> memref<512xi32, #tpu.memory_space<hbm>>
      %dma_wait3A_356 = tpu.memref_slice %arg3[%mul3A_2] : memref<16384xi32, #tpu.memory_space<hbm>> -> memref<512xi32, #tpu.memory_space<hbm>>
      tpu.wait_dma2 semaphore(%run_scoped3A : memref<!tpu.dma_semaphore, #tpu.memory_space<semaphore_mem>>) src(%dma_wait3A_356 : memref<512xi32, #tpu.memory_space<hbm>>) dst(%arg5 : memref<512xi32, #tpu.memory_space<vmem>>)
      tpu.yield
    }) : () -> ()
    %dma_start3A = arith.constant 0 : i32
    %dma_start3A_3 = arith.constant 0 : i32
    %dma_start3A_4 = arith.constant 0 : i32
    %dma_start3A_5 = tpu.memref_slice %arg6[%dma_start3A_3, %dma_start3A_4] : memref<512x128xf32, #tpu.memory_space<vmem>> -> memref<64x128xf32, #tpu.memory_space<vmem>>
    %dma_start3A_6 = arith.constant 0 : i32
    %dma_start3A_7 = tpu.memref_slice %arg5[%dma_start3A_6] : memref<512xi32, #tpu.memory_space<vmem>> -> memref<64xi32, #tpu.memory_space<vmem>>
    %dma_start3A_8 = arith.constant 0 : i32
    %dma_start3A_9 = arith.constant 0 : i32
    %dma_start3A_10 = tpu.memref_slice %arg2[%dma_start3A_8, %dma_start3A_9] : memref<32768x128xf32, #tpu.memory_space<hbm>> -> memref<32768x128xf32, #tpu.memory_space<hbm>>
    %dma_start3A_11 = tpu.memref_slice %arg7[%dma_start3A] : memref<8x!tpu.dma_semaphore, #tpu.memory_space<semaphore_mem>> -> memref<1x!tpu.dma_semaphore, #tpu.memory_space<semaphore_mem>>
    %dma_start3A_12 = tpu.memref_squeeze %dma_start3A_11 : memref<1x!tpu.dma_semaphore, #tpu.memory_space<semaphore_mem>> -> memref<!tpu.dma_semaphore, #tpu.memory_space<semaphore_mem>>
    tpu.enqueue_indirect_dma source(%dma_start3A_10 : memref<32768x128xf32, #tpu.memory_space<hbm>>) target(%dma_start3A_5 : memref<64x128xf32, #tpu.memory_space<vmem>>) offsets(%dma_start3A_7 : memref<64xi32, #tpu.memory_space<vmem>>) semaphore(%dma_start3A_12 : memref<!tpu.dma_semaphore, #tpu.memory_space<semaphore_mem>>)
    %dma_start3A_13 = arith.constant 1 : i32
    %dma_start3A_14 = arith.constant 64 : i32
    %dma_start3A_15 = arith.constant 0 : i32
    %dma_start3A_16 = tpu.memref_slice %arg6[%dma_start3A_14, %dma_start3A_15] : memref<512x128xf32, #tpu.memory_space<vmem>> -> memref<64x128xf32, #tpu.memory_space<vmem>>
    %dma_start3A_17 = arith.constant 64 : i32
    %dma_start3A_18 = tpu.memref_slice %arg5[%dma_start3A_17] : memref<512xi32, #tpu.memory_space<vmem>> -> memref<64xi32, #tpu.memory_space<vmem>>
    %dma_start3A_19 = arith.constant 0 : i32
    %dma_start3A_20 = arith.constant 0 : i32
    %dma_start3A_21 = tpu.memref_slice %arg2[%dma_start3A_19, %dma_start3A_20] : memref<32768x128xf32, #tpu.memory_space<hbm>> -> memref<32768x128xf32, #tpu.memory_space<hbm>>
    %dma_start3A_22 = tpu.memref_slice %arg7[%dma_start3A_13] : memref<8x!tpu.dma_semaphore, #tpu.memory_space<semaphore_mem>> -> memref<1x!tpu.dma_semaphore, #tpu.memory_space<semaphore_mem>>
    %dma_start3A_23 = tpu.memref_squeeze %dma_start3A_22 : memref<1x!tpu.dma_semaphore, #tpu.memory_space<semaphore_mem>> -> memref<!tpu.dma_semaphore, #tpu.memory_space<semaphore_mem>>
    tpu.enqueue_indirect_dma source(%dma_start3A_21 : memref<32768x128xf32, #tpu.memory_space<hbm>>) target(%dma_start3A_16 : memref<64x128xf32, #tpu.memory_space<vmem>>) offsets(%dma_start3A_18 : memref<64xi32, #tpu.memory_space<vmem>>) semaphore(%dma_start3A_23 : memref<!tpu.dma_semaphore, #tpu.memory_space<semaphore_mem>>)
    %dma_start3A_24 = arith.constant 2 : i32
    %dma_start3A_25 = arith.constant 128 : i32
    %dma_start3A_26 = arith.constant 0 : i32
    %dma_start3A_27 = tpu.memref_slice %arg6[%dma_start3A_25, %dma_start3A_26] : memref<512x128xf32, #tpu.memory_space<vmem>> -> memref<64x128xf32, #tpu.memory_space<vmem>>
    %dma_start3A_28 = arith.constant 128 : i32
    %dma_start3A_29 = tpu.memref_slice %arg5[%dma_start3A_28] : memref<512xi32, #tpu.memory_space<vmem>> -> memref<64xi32, #tpu.memory_space<vmem>>
    %dma_start3A_30 = arith.constant 0 : i32
    %dma_start3A_31 = arith.constant 0 : i32
    %dma_start3A_32 = tpu.memref_slice %arg2[%dma_start3A_30, %dma_start3A_31] : memref<32768x128xf32, #tpu.memory_space<hbm>> -> memref<32768x128xf32, #tpu.memory_space<hbm>>
    %dma_start3A_33 = tpu.memref_slice %arg7[%dma_start3A_24] : memref<8x!tpu.dma_semaphore, #tpu.memory_space<semaphore_mem>> -> memref<1x!tpu.dma_semaphore, #tpu.memory_space<semaphore_mem>>
    %dma_start3A_34 = tpu.memref_squeeze %dma_start3A_33 : memref<1x!tpu.dma_semaphore, #tpu.memory_space<semaphore_mem>> -> memref<!tpu.dma_semaphore, #tpu.memory_space<semaphore_mem>>
    tpu.enqueue_indirect_dma source(%dma_start3A_32 : memref<32768x128xf32, #tpu.memory_space<hbm>>) target(%dma_start3A_27 : memref<64x128xf32, #tpu.memory_space<vmem>>) offsets(%dma_start3A_29 : memref<64xi32, #tpu.memory_space<vmem>>) semaphore(%dma_start3A_34 : memref<!tpu.dma_semaphore, #tpu.memory_space<semaphore_mem>>)
    %dma_start3A_35 = arith.constant 3 : i32
    %dma_start3A_36 = arith.constant 192 : i32
    %dma_start3A_37 = arith.constant 0 : i32
    %dma_start3A_38 = tpu.memref_slice %arg6[%dma_start3A_36, %dma_start3A_37] : memref<512x128xf32, #tpu.memory_space<vmem>> -> memref<64x128xf32, #tpu.memory_space<vmem>>
    %dma_start3A_39 = arith.constant 192 : i32
    %dma_start3A_40 = tpu.memref_slice %arg5[%dma_start3A_39] : memref<512xi32, #tpu.memory_space<vmem>> -> memref<64xi32, #tpu.memory_space<vmem>>
    %dma_start3A_41 = arith.constant 0 : i32
    %dma_start3A_42 = arith.constant 0 : i32
    %dma_start3A_43 = tpu.memref_slice %arg2[%dma_start3A_41, %dma_start3A_42] : memref<32768x128xf32, #tpu.memory_space<hbm>> -> memref<32768x128xf32, #tpu.memory_space<hbm>>
    %dma_start3A_44 = tpu.memref_slice %arg7[%dma_start3A_35] : memref<8x!tpu.dma_semaphore, #tpu.memory_space<semaphore_mem>> -> memref<1x!tpu.dma_semaphore, #tpu.memory_space<semaphore_mem>>
    %dma_start3A_45 = tpu.memref_squeeze %dma_start3A_44 : memref<1x!tpu.dma_semaphore, #tpu.memory_space<semaphore_mem>> -> memref<!tpu.dma_semaphore, #tpu.memory_space<semaphore_mem>>
    tpu.enqueue_indirect_dma source(%dma_start3A_43 : memref<32768x128xf32, #tpu.memory_space<hbm>>) target(%dma_start3A_38 : memref<64x128xf32, #tpu.memory_space<vmem>>) offsets(%dma_start3A_40 : memref<64xi32, #tpu.memory_space<vmem>>) semaphore(%dma_start3A_45 : memref<!tpu.dma_semaphore, #tpu.memory_space<semaphore_mem>>)
    %dma_start3A_46 = arith.constant 4 : i32
    %dma_start3A_47 = arith.constant 256 : i32
    %dma_start3A_48 = arith.constant 0 : i32
    %dma_start3A_49 = tpu.memref_slice %arg6[%dma_start3A_47, %dma_start3A_48] : memref<512x128xf32, #tpu.memory_space<vmem>> -> memref<64x128xf32, #tpu.memory_space<vmem>>
    %dma_start3A_50 = arith.constant 256 : i32
    %dma_start3A_51 = tpu.memref_slice %arg5[%dma_start3A_50] : memref<512xi32, #tpu.memory_space<vmem>> -> memref<64xi32, #tpu.memory_space<vmem>>
    %dma_start3A_52 = arith.constant 0 : i32
    %dma_start3A_53 = arith.constant 0 : i32
    %dma_start3A_54 = tpu.memref_slice %arg2[%dma_start3A_52, %dma_start3A_53] : memref<32768x128xf32, #tpu.memory_space<hbm>> -> memref<32768x128xf32, #tpu.memory_space<hbm>>
    %dma_start3A_55 = tpu.memref_slice %arg7[%dma_start3A_46] : memref<8x!tpu.dma_semaphore, #tpu.memory_space<semaphore_mem>> -> memref<1x!tpu.dma_semaphore, #tpu.memory_space<semaphore_mem>>
    %dma_start3A_56 = tpu.memref_squeeze %dma_start3A_55 : memref<1x!tpu.dma_semaphore, #tpu.memory_space<semaphore_mem>> -> memref<!tpu.dma_semaphore, #tpu.memory_space<semaphore_mem>>
    tpu.enqueue_indirect_dma source(%dma_start3A_54 : memref<32768x128xf32, #tpu.memory_space<hbm>>) target(%dma_start3A_49 : memref<64x128xf32, #tpu.memory_space<vmem>>) offsets(%dma_start3A_51 : memref<64xi32, #tpu.memory_space<vmem>>) semaphore(%dma_start3A_56 : memref<!tpu.dma_semaphore, #tpu.memory_space<semaphore_mem>>)
    %dma_start3A_57 = arith.constant 5 : i32
    %dma_start3A_58 = arith.constant 320 : i32
    %dma_start3A_59 = arith.constant 0 : i32
    %dma_start3A_60 = tpu.memref_slice %arg6[%dma_start3A_58, %dma_start3A_59] : memref<512x128xf32, #tpu.memory_space<vmem>> -> memref<64x128xf32, #tpu.memory_space<vmem>>
    %dma_start3A_61 = arith.constant 320 : i32
    %dma_start3A_62 = tpu.memref_slice %arg5[%dma_start3A_61] : memref<512xi32, #tpu.memory_space<vmem>> -> memref<64xi32, #tpu.memory_space<vmem>>
    %dma_start3A_63 = arith.constant 0 : i32
    %dma_start3A_64 = arith.constant 0 : i32
    %dma_start3A_65 = tpu.memref_slice %arg2[%dma_start3A_63, %dma_start3A_64] : memref<32768x128xf32, #tpu.memory_space<hbm>> -> memref<32768x128xf32, #tpu.memory_space<hbm>>
    %dma_start3A_66 = tpu.memref_slice %arg7[%dma_start3A_57] : memref<8x!tpu.dma_semaphore, #tpu.memory_space<semaphore_mem>> -> memref<1x!tpu.dma_semaphore, #tpu.memory_space<semaphore_mem>>
    %dma_start3A_67 = tpu.memref_squeeze %dma_start3A_66 : memref<1x!tpu.dma_semaphore, #tpu.memory_space<semaphore_mem>> -> memref<!tpu.dma_semaphore, #tpu.memory_space<semaphore_mem>>
    tpu.enqueue_indirect_dma source(%dma_start3A_65 : memref<32768x128xf32, #tpu.memory_space<hbm>>) target(%dma_start3A_60 : memref<64x128xf32, #tpu.memory_space<vmem>>) offsets(%dma_start3A_62 : memref<64xi32, #tpu.memory_space<vmem>>) semaphore(%dma_start3A_67 : memref<!tpu.dma_semaphore, #tpu.memory_space<semaphore_mem>>)
    %dma_start3A_68 = arith.constant 6 : i32
    %dma_start3A_69 = arith.constant 384 : i32
    %dma_start3A_70 = arith.constant 0 : i32
    %dma_start3A_71 = tpu.memref_slice %arg6[%dma_start3A_69, %dma_start3A_70] : memref<512x128xf32, #tpu.memory_space<vmem>> -> memref<64x128xf32, #tpu.memory_space<vmem>>
    %dma_start3A_72 = arith.constant 384 : i32
    %dma_start3A_73 = tpu.memref_slice %arg5[%dma_start3A_72] : memref<512xi32, #tpu.memory_space<vmem>> -> memref<64xi32, #tpu.memory_space<vmem>>
    %dma_start3A_74 = arith.constant 0 : i32
    %dma_start3A_75 = arith.constant 0 : i32
    %dma_start3A_76 = tpu.memref_slice %arg2[%dma_start3A_74, %dma_start3A_75] : memref<32768x128xf32, #tpu.memory_space<hbm>> -> memref<32768x128xf32, #tpu.memory_space<hbm>>
    %dma_start3A_77 = tpu.memref_slice %arg7[%dma_start3A_68] : memref<8x!tpu.dma_semaphore, #tpu.memory_space<semaphore_mem>> -> memref<1x!tpu.dma_semaphore, #tpu.memory_space<semaphore_mem>>
    %dma_start3A_78 = tpu.memref_squeeze %dma_start3A_77 : memref<1x!tpu.dma_semaphore, #tpu.memory_space<semaphore_mem>> -> memref<!tpu.dma_semaphore, #tpu.memory_space<semaphore_mem>>
    tpu.enqueue_indirect_dma source(%dma_start3A_76 : memref<32768x128xf32, #tpu.memory_space<hbm>>) target(%dma_start3A_71 : memref<64x128xf32, #tpu.memory_space<vmem>>) offsets(%dma_start3A_73 : memref<64xi32, #tpu.memory_space<vmem>>) semaphore(%dma_start3A_78 : memref<!tpu.dma_semaphore, #tpu.memory_space<semaphore_mem>>)
    %dma_start3A_79 = arith.constant 7 : i32
    %dma_start3A_80 = arith.constant 448 : i32
    %dma_start3A_81 = arith.constant 0 : i32
    %dma_start3A_82 = tpu.memref_slice %arg6[%dma_start3A_80, %dma_start3A_81] : memref<512x128xf32, #tpu.memory_space<vmem>> -> memref<64x128xf32, #tpu.memory_space<vmem>>
    %dma_start3A_83 = arith.constant 448 : i32
    %dma_start3A_84 = tpu.memref_slice %arg5[%dma_start3A_83] : memref<512xi32, #tpu.memory_space<vmem>> -> memref<64xi32, #tpu.memory_space<vmem>>
    %dma_start3A_85 = arith.constant 0 : i32
    %dma_start3A_86 = arith.constant 0 : i32
    %dma_start3A_87 = tpu.memref_slice %arg2[%dma_start3A_85, %dma_start3A_86] : memref<32768x128xf32, #tpu.memory_space<hbm>> -> memref<32768x128xf32, #tpu.memory_space<hbm>>
    %dma_start3A_88 = tpu.memref_slice %arg7[%dma_start3A_79] : memref<8x!tpu.dma_semaphore, #tpu.memory_space<semaphore_mem>> -> memref<1x!tpu.dma_semaphore, #tpu.memory_space<semaphore_mem>>
    %dma_start3A_89 = tpu.memref_squeeze %dma_start3A_88 : memref<1x!tpu.dma_semaphore, #tpu.memory_space<semaphore_mem>> -> memref<!tpu.dma_semaphore, #tpu.memory_space<semaphore_mem>>
    tpu.enqueue_indirect_dma source(%dma_start3A_87 : memref<32768x128xf32, #tpu.memory_space<hbm>>) target(%dma_start3A_82 : memref<64x128xf32, #tpu.memory_space<vmem>>) offsets(%dma_start3A_84 : memref<64xi32, #tpu.memory_space<vmem>>) semaphore(%dma_start3A_89 : memref<!tpu.dma_semaphore, #tpu.memory_space<semaphore_mem>>)
    %dma_wait3A = arith.constant 0 : i32
    %dma_wait3A_90 = arith.constant 0 : i32
    %dma_wait3A_91 = arith.constant 0 : i32
    %dma_wait3A_92 = tpu.memref_slice %arg6[%dma_wait3A_90, %dma_wait3A_91] : memref<512x128xf32, #tpu.memory_space<vmem>> -> memref<64x128xf32, #tpu.memory_space<vmem>>
    %dma_wait3A_93 = arith.constant 0 : i32
    %dma_wait3A_94 = tpu.memref_slice %arg5[%dma_wait3A_93] : memref<512xi32, #tpu.memory_space<vmem>> -> memref<64xi32, #tpu.memory_space<vmem>>
    %dma_wait3A_95 = arith.constant 0 : i32
    %dma_wait3A_96 = arith.constant 0 : i32
    %dma_wait3A_97 = tpu.memref_slice %arg2[%dma_wait3A_95, %dma_wait3A_96] : memref<32768x128xf32, #tpu.memory_space<hbm>> -> memref<32768x128xf32, #tpu.memory_space<hbm>>
    %dma_wait3A_98 = tpu.memref_slice %arg7[%dma_wait3A] : memref<8x!tpu.dma_semaphore, #tpu.memory_space<semaphore_mem>> -> memref<1x!tpu.dma_semaphore, #tpu.memory_space<semaphore_mem>>
    %dma_wait3A_99 = tpu.memref_squeeze %dma_wait3A_98 : memref<1x!tpu.dma_semaphore, #tpu.memory_space<semaphore_mem>> -> memref<!tpu.dma_semaphore, #tpu.memory_space<semaphore_mem>>
    tpu.wait_indirect_dma semaphore(%dma_wait3A_99 : memref<!tpu.dma_semaphore, #tpu.memory_space<semaphore_mem>>) src(%dma_wait3A_97 : memref<32768x128xf32, #tpu.memory_space<hbm>>) dst(%dma_wait3A_92 : memref<64x128xf32, #tpu.memory_space<vmem>>)
    %add3A_100 = arith.constant 0 : i32
    %add3A_101 = arith.addi %mul3A_2, %add3A_100 : i32
    %dma_start3A_102 = arith.constant 0 : i32
    %dma_start3A_103 = arith.constant 0 : i32
    %dma_start3A_104 = tpu.memref_slice %arg6[%dma_start3A_102, %dma_start3A_103] : memref<512x128xf32, #tpu.memory_space<vmem>> -> memref<64x128xf32, #tpu.memory_space<vmem>>
    %dma_start3A_105 = arith.constant 0 : i32
    %dma_start3A_106 = tpu.memref_slice %arg4[%add3A_101, %dma_start3A_105] : memref<16384x128xf32, #tpu.memory_space<hbm>> -> memref<64x128xf32, #tpu.memory_space<hbm>>
    %dma_start3A_107 = arith.constant 0 : i32
    %dma_start3A_108 = tpu.memref_slice %arg4[%add3A_101, %dma_start3A_107] : memref<16384x128xf32, #tpu.memory_space<hbm>> -> memref<64x128xf32, #tpu.memory_space<hbm>>
    %dma_start3A_109 = arith.constant 0 : i32
    %dma_start3A_110 = arith.constant 0 : i32
    %dma_start3A_111 = tpu.memref_slice %arg6[%dma_start3A_109, %dma_start3A_110] : memref<512x128xf32, #tpu.memory_space<vmem>> -> memref<64x128xf32, #tpu.memory_space<vmem>>
    tpu.enqueue_dma source(%dma_start3A_111 : memref<64x128xf32, #tpu.memory_space<vmem>>) target(%dma_start3A_108 : memref<64x128xf32, #tpu.memory_space<hbm>>) target_semaphore(%arg8 : memref<!tpu.dma_semaphore, #tpu.memory_space<semaphore_mem>>)
    %dma_wait3A_112 = arith.constant 1 : i32
    %dma_wait3A_113 = arith.constant 64 : i32
    %dma_wait3A_114 = arith.constant 0 : i32
    %dma_wait3A_115 = tpu.memref_slice %arg6[%dma_wait3A_113, %dma_wait3A_114] : memref<512x128xf32, #tpu.memory_space<vmem>> -> memref<64x128xf32, #tpu.memory_space<vmem>>
    %dma_wait3A_116 = arith.constant 64 : i32
    %dma_wait3A_117 = tpu.memref_slice %arg5[%dma_wait3A_116] : memref<512xi32, #tpu.memory_space<vmem>> -> memref<64xi32, #tpu.memory_space<vmem>>
    %dma_wait3A_118 = arith.constant 0 : i32
    %dma_wait3A_119 = arith.constant 0 : i32
    %dma_wait3A_120 = tpu.memref_slice %arg2[%dma_wait3A_118, %dma_wait3A_119] : memref<32768x128xf32, #tpu.memory_space<hbm>> -> memref<32768x128xf32, #tpu.memory_space<hbm>>
    %dma_wait3A_121 = tpu.memref_slice %arg7[%dma_wait3A_112] : memref<8x!tpu.dma_semaphore, #tpu.memory_space<semaphore_mem>> -> memref<1x!tpu.dma_semaphore, #tpu.memory_space<semaphore_mem>>
    %dma_wait3A_122 = tpu.memref_squeeze %dma_wait3A_121 : memref<1x!tpu.dma_semaphore, #tpu.memory_space<semaphore_mem>> -> memref<!tpu.dma_semaphore, #tpu.memory_space<semaphore_mem>>
    tpu.wait_indirect_dma semaphore(%dma_wait3A_122 : memref<!tpu.dma_semaphore, #tpu.memory_space<semaphore_mem>>) src(%dma_wait3A_120 : memref<32768x128xf32, #tpu.memory_space<hbm>>) dst(%dma_wait3A_115 : memref<64x128xf32, #tpu.memory_space<vmem>>)
    %add3A_123 = arith.constant 64 : i32
    %add3A_124 = arith.addi %mul3A_2, %add3A_123 : i32
    %dma_start3A_125 = arith.constant 64 : i32
    %dma_start3A_126 = arith.constant 0 : i32
    %dma_start3A_127 = tpu.memref_slice %arg6[%dma_start3A_125, %dma_start3A_126] : memref<512x128xf32, #tpu.memory_space<vmem>> -> memref<64x128xf32, #tpu.memory_space<vmem>>
    %dma_start3A_128 = arith.constant 0 : i32
    %dma_start3A_129 = tpu.memref_slice %arg4[%add3A_124, %dma_start3A_128] : memref<16384x128xf32, #tpu.memory_space<hbm>> -> memref<64x128xf32, #tpu.memory_space<hbm>>
    %dma_start3A_130 = arith.constant 0 : i32
    %dma_start3A_131 = tpu.memref_slice %arg4[%add3A_124, %dma_start3A_130] : memref<16384x128xf32, #tpu.memory_space<hbm>> -> memref<64x128xf32, #tpu.memory_space<hbm>>
    %dma_start3A_132 = arith.constant 64 : i32
    %dma_start3A_133 = arith.constant 0 : i32
    %dma_start3A_134 = tpu.memref_slice %arg6[%dma_start3A_132, %dma_start3A_133] : memref<512x128xf32, #tpu.memory_space<vmem>> -> memref<64x128xf32, #tpu.memory_space<vmem>>
    tpu.enqueue_dma source(%dma_start3A_134 : memref<64x128xf32, #tpu.memory_space<vmem>>) target(%dma_start3A_131 : memref<64x128xf32, #tpu.memory_space<hbm>>) target_semaphore(%arg8 : memref<!tpu.dma_semaphore, #tpu.memory_space<semaphore_mem>>)
    %dma_wait3A_135 = arith.constant 2 : i32
    %dma_wait3A_136 = arith.constant 128 : i32
    %dma_wait3A_137 = arith.constant 0 : i32
    %dma_wait3A_138 = tpu.memref_slice %arg6[%dma_wait3A_136, %dma_wait3A_137] : memref<512x128xf32, #tpu.memory_space<vmem>> -> memref<64x128xf32, #tpu.memory_space<vmem>>
    %dma_wait3A_139 = arith.constant 128 : i32
    %dma_wait3A_140 = tpu.memref_slice %arg5[%dma_wait3A_139] : memref<512xi32, #tpu.memory_space<vmem>> -> memref<64xi32, #tpu.memory_space<vmem>>
    %dma_wait3A_141 = arith.constant 0 : i32
    %dma_wait3A_142 = arith.constant 0 : i32
    %dma_wait3A_143 = tpu.memref_slice %arg2[%dma_wait3A_141, %dma_wait3A_142] : memref<32768x128xf32, #tpu.memory_space<hbm>> -> memref<32768x128xf32, #tpu.memory_space<hbm>>
    %dma_wait3A_144 = tpu.memref_slice %arg7[%dma_wait3A_135] : memref<8x!tpu.dma_semaphore, #tpu.memory_space<semaphore_mem>> -> memref<1x!tpu.dma_semaphore, #tpu.memory_space<semaphore_mem>>
    %dma_wait3A_145 = tpu.memref_squeeze %dma_wait3A_144 : memref<1x!tpu.dma_semaphore, #tpu.memory_space<semaphore_mem>> -> memref<!tpu.dma_semaphore, #tpu.memory_space<semaphore_mem>>
    tpu.wait_indirect_dma semaphore(%dma_wait3A_145 : memref<!tpu.dma_semaphore, #tpu.memory_space<semaphore_mem>>) src(%dma_wait3A_143 : memref<32768x128xf32, #tpu.memory_space<hbm>>) dst(%dma_wait3A_138 : memref<64x128xf32, #tpu.memory_space<vmem>>)
    %add3A_146 = arith.constant 128 : i32
    %add3A_147 = arith.addi %mul3A_2, %add3A_146 : i32
    %dma_start3A_148 = arith.constant 128 : i32
    %dma_start3A_149 = arith.constant 0 : i32
    %dma_start3A_150 = tpu.memref_slice %arg6[%dma_start3A_148, %dma_start3A_149] : memref<512x128xf32, #tpu.memory_space<vmem>> -> memref<64x128xf32, #tpu.memory_space<vmem>>
    %dma_start3A_151 = arith.constant 0 : i32
    %dma_start3A_152 = tpu.memref_slice %arg4[%add3A_147, %dma_start3A_151] : memref<16384x128xf32, #tpu.memory_space<hbm>> -> memref<64x128xf32, #tpu.memory_space<hbm>>
    %dma_start3A_153 = arith.constant 0 : i32
    %dma_start3A_154 = tpu.memref_slice %arg4[%add3A_147, %dma_start3A_153] : memref<16384x128xf32, #tpu.memory_space<hbm>> -> memref<64x128xf32, #tpu.memory_space<hbm>>
    %dma_start3A_155 = arith.constant 128 : i32
    %dma_start3A_156 = arith.constant 0 : i32
    %dma_start3A_157 = tpu.memref_slice %arg6[%dma_start3A_155, %dma_start3A_156] : memref<512x128xf32, #tpu.memory_space<vmem>> -> memref<64x128xf32, #tpu.memory_space<vmem>>
    tpu.enqueue_dma source(%dma_start3A_157 : memref<64x128xf32, #tpu.memory_space<vmem>>) target(%dma_start3A_154 : memref<64x128xf32, #tpu.memory_space<hbm>>) target_semaphore(%arg8 : memref<!tpu.dma_semaphore, #tpu.memory_space<semaphore_mem>>)
    %dma_wait3A_158 = arith.constant 3 : i32
    %dma_wait3A_159 = arith.constant 192 : i32
    %dma_wait3A_160 = arith.constant 0 : i32
    %dma_wait3A_161 = tpu.memref_slice %arg6[%dma_wait3A_159, %dma_wait3A_160] : memref<512x128xf32, #tpu.memory_space<vmem>> -> memref<64x128xf32, #tpu.memory_space<vmem>>
    %dma_wait3A_162 = arith.constant 192 : i32
    %dma_wait3A_163 = tpu.memref_slice %arg5[%dma_wait3A_162] : memref<512xi32, #tpu.memory_space<vmem>> -> memref<64xi32, #tpu.memory_space<vmem>>
    %dma_wait3A_164 = arith.constant 0 : i32
    %dma_wait3A_165 = arith.constant 0 : i32
    %dma_wait3A_166 = tpu.memref_slice %arg2[%dma_wait3A_164, %dma_wait3A_165] : memref<32768x128xf32, #tpu.memory_space<hbm>> -> memref<32768x128xf32, #tpu.memory_space<hbm>>
    %dma_wait3A_167 = tpu.memref_slice %arg7[%dma_wait3A_158] : memref<8x!tpu.dma_semaphore, #tpu.memory_space<semaphore_mem>> -> memref<1x!tpu.dma_semaphore, #tpu.memory_space<semaphore_mem>>
    %dma_wait3A_168 = tpu.memref_squeeze %dma_wait3A_167 : memref<1x!tpu.dma_semaphore, #tpu.memory_space<semaphore_mem>> -> memref<!tpu.dma_semaphore, #tpu.memory_space<semaphore_mem>>
    tpu.wait_indirect_dma semaphore(%dma_wait3A_168 : memref<!tpu.dma_semaphore, #tpu.memory_space<semaphore_mem>>) src(%dma_wait3A_166 : memref<32768x128xf32, #tpu.memory_space<hbm>>) dst(%dma_wait3A_161 : memref<64x128xf32, #tpu.memory_space<vmem>>)
    %add3A_169 = arith.constant 192 : i32
    %add3A_170 = arith.addi %mul3A_2, %add3A_169 : i32
    %dma_start3A_171 = arith.constant 192 : i32
    %dma_start3A_172 = arith.constant 0 : i32
    %dma_start3A_173 = tpu.memref_slice %arg6[%dma_start3A_171, %dma_start3A_172] : memref<512x128xf32, #tpu.memory_space<vmem>> -> memref<64x128xf32, #tpu.memory_space<vmem>>
    %dma_start3A_174 = arith.constant 0 : i32
    %dma_start3A_175 = tpu.memref_slice %arg4[%add3A_170, %dma_start3A_174] : memref<16384x128xf32, #tpu.memory_space<hbm>> -> memref<64x128xf32, #tpu.memory_space<hbm>>
    %dma_start3A_176 = arith.constant 0 : i32
    %dma_start3A_177 = tpu.memref_slice %arg4[%add3A_170, %dma_start3A_176] : memref<16384x128xf32, #tpu.memory_space<hbm>> -> memref<64x128xf32, #tpu.memory_space<hbm>>
    %dma_start3A_178 = arith.constant 192 : i32
    %dma_start3A_179 = arith.constant 0 : i32
    %dma_start3A_180 = tpu.memref_slice %arg6[%dma_start3A_178, %dma_start3A_179] : memref<512x128xf32, #tpu.memory_space<vmem>> -> memref<64x128xf32, #tpu.memory_space<vmem>>
    tpu.enqueue_dma source(%dma_start3A_180 : memref<64x128xf32, #tpu.memory_space<vmem>>) target(%dma_start3A_177 : memref<64x128xf32, #tpu.memory_space<hbm>>) target_semaphore(%arg8 : memref<!tpu.dma_semaphore, #tpu.memory_space<semaphore_mem>>)
    %dma_wait3A_181 = arith.constant 4 : i32
    %dma_wait3A_182 = arith.constant 256 : i32
    %dma_wait3A_183 = arith.constant 0 : i32
    %dma_wait3A_184 = tpu.memref_slice %arg6[%dma_wait3A_182, %dma_wait3A_183] : memref<512x128xf32, #tpu.memory_space<vmem>> -> memref<64x128xf32, #tpu.memory_space<vmem>>
    %dma_wait3A_185 = arith.constant 256 : i32
    %dma_wait3A_186 = tpu.memref_slice %arg5[%dma_wait3A_185] : memref<512xi32, #tpu.memory_space<vmem>> -> memref<64xi32, #tpu.memory_space<vmem>>
    %dma_wait3A_187 = arith.constant 0 : i32
    %dma_wait3A_188 = arith.constant 0 : i32
    %dma_wait3A_189 = tpu.memref_slice %arg2[%dma_wait3A_187, %dma_wait3A_188] : memref<32768x128xf32, #tpu.memory_space<hbm>> -> memref<32768x128xf32, #tpu.memory_space<hbm>>
    %dma_wait3A_190 = tpu.memref_slice %arg7[%dma_wait3A_181] : memref<8x!tpu.dma_semaphore, #tpu.memory_space<semaphore_mem>> -> memref<1x!tpu.dma_semaphore, #tpu.memory_space<semaphore_mem>>
    %dma_wait3A_191 = tpu.memref_squeeze %dma_wait3A_190 : memref<1x!tpu.dma_semaphore, #tpu.memory_space<semaphore_mem>> -> memref<!tpu.dma_semaphore, #tpu.memory_space<semaphore_mem>>
    tpu.wait_indirect_dma semaphore(%dma_wait3A_191 : memref<!tpu.dma_semaphore, #tpu.memory_space<semaphore_mem>>) src(%dma_wait3A_189 : memref<32768x128xf32, #tpu.memory_space<hbm>>) dst(%dma_wait3A_184 : memref<64x128xf32, #tpu.memory_space<vmem>>)
    %add3A_192 = arith.constant 256 : i32
    %add3A_193 = arith.addi %mul3A_2, %add3A_192 : i32
    %dma_start3A_194 = arith.constant 256 : i32
    %dma_start3A_195 = arith.constant 0 : i32
    %dma_start3A_196 = tpu.memref_slice %arg6[%dma_start3A_194, %dma_start3A_195] : memref<512x128xf32, #tpu.memory_space<vmem>> -> memref<64x128xf32, #tpu.memory_space<vmem>>
    %dma_start3A_197 = arith.constant 0 : i32
    %dma_start3A_198 = tpu.memref_slice %arg4[%add3A_193, %dma_start3A_197] : memref<16384x128xf32, #tpu.memory_space<hbm>> -> memref<64x128xf32, #tpu.memory_space<hbm>>
    %dma_start3A_199 = arith.constant 0 : i32
    %dma_start3A_200 = tpu.memref_slice %arg4[%add3A_193, %dma_start3A_199] : memref<16384x128xf32, #tpu.memory_space<hbm>> -> memref<64x128xf32, #tpu.memory_space<hbm>>
    %dma_start3A_201 = arith.constant 256 : i32
    %dma_start3A_202 = arith.constant 0 : i32
    %dma_start3A_203 = tpu.memref_slice %arg6[%dma_start3A_201, %dma_start3A_202] : memref<512x128xf32, #tpu.memory_space<vmem>> -> memref<64x128xf32, #tpu.memory_space<vmem>>
    tpu.enqueue_dma source(%dma_start3A_203 : memref<64x128xf32, #tpu.memory_space<vmem>>) target(%dma_start3A_200 : memref<64x128xf32, #tpu.memory_space<hbm>>) target_semaphore(%arg8 : memref<!tpu.dma_semaphore, #tpu.memory_space<semaphore_mem>>)
    %dma_wait3A_204 = arith.constant 5 : i32
    %dma_wait3A_205 = arith.constant 320 : i32
    %dma_wait3A_206 = arith.constant 0 : i32
    %dma_wait3A_207 = tpu.memref_slice %arg6[%dma_wait3A_205, %dma_wait3A_206] : memref<512x128xf32, #tpu.memory_space<vmem>> -> memref<64x128xf32, #tpu.memory_space<vmem>>
    %dma_wait3A_208 = arith.constant 320 : i32
    %dma_wait3A_209 = tpu.memref_slice %arg5[%dma_wait3A_208] : memref<512xi32, #tpu.memory_space<vmem>> -> memref<64xi32, #tpu.memory_space<vmem>>
    %dma_wait3A_210 = arith.constant 0 : i32
    %dma_wait3A_211 = arith.constant 0 : i32
    %dma_wait3A_212 = tpu.memref_slice %arg2[%dma_wait3A_210, %dma_wait3A_211] : memref<32768x128xf32, #tpu.memory_space<hbm>> -> memref<32768x128xf32, #tpu.memory_space<hbm>>
    %dma_wait3A_213 = tpu.memref_slice %arg7[%dma_wait3A_204] : memref<8x!tpu.dma_semaphore, #tpu.memory_space<semaphore_mem>> -> memref<1x!tpu.dma_semaphore, #tpu.memory_space<semaphore_mem>>
    %dma_wait3A_214 = tpu.memref_squeeze %dma_wait3A_213 : memref<1x!tpu.dma_semaphore, #tpu.memory_space<semaphore_mem>> -> memref<!tpu.dma_semaphore, #tpu.memory_space<semaphore_mem>>
    tpu.wait_indirect_dma semaphore(%dma_wait3A_214 : memref<!tpu.dma_semaphore, #tpu.memory_space<semaphore_mem>>) src(%dma_wait3A_212 : memref<32768x128xf32, #tpu.memory_space<hbm>>) dst(%dma_wait3A_207 : memref<64x128xf32, #tpu.memory_space<vmem>>)
    %add3A_215 = arith.constant 320 : i32
    %add3A_216 = arith.addi %mul3A_2, %add3A_215 : i32
    %dma_start3A_217 = arith.constant 320 : i32
    %dma_start3A_218 = arith.constant 0 : i32
    %dma_start3A_219 = tpu.memref_slice %arg6[%dma_start3A_217, %dma_start3A_218] : memref<512x128xf32, #tpu.memory_space<vmem>> -> memref<64x128xf32, #tpu.memory_space<vmem>>
    %dma_start3A_220 = arith.constant 0 : i32
    %dma_start3A_221 = tpu.memref_slice %arg4[%add3A_216, %dma_start3A_220] : memref<16384x128xf32, #tpu.memory_space<hbm>> -> memref<64x128xf32, #tpu.memory_space<hbm>>
    %dma_start3A_222 = arith.constant 0 : i32
    %dma_start3A_223 = tpu.memref_slice %arg4[%add3A_216, %dma_start3A_222] : memref<16384x128xf32, #tpu.memory_space<hbm>> -> memref<64x128xf32, #tpu.memory_space<hbm>>
    %dma_start3A_224 = arith.constant 320 : i32
    %dma_start3A_225 = arith.constant 0 : i32
    %dma_start3A_226 = tpu.memref_slice %arg6[%dma_start3A_224, %dma_start3A_225] : memref<512x128xf32, #tpu.memory_space<vmem>> -> memref<64x128xf32, #tpu.memory_space<vmem>>
    tpu.enqueue_dma source(%dma_start3A_226 : memref<64x128xf32, #tpu.memory_space<vmem>>) target(%dma_start3A_223 : memref<64x128xf32, #tpu.memory_space<hbm>>) target_semaphore(%arg8 : memref<!tpu.dma_semaphore, #tpu.memory_space<semaphore_mem>>)
    %dma_wait3A_227 = arith.constant 6 : i32
    %dma_wait3A_228 = arith.constant 384 : i32
    %dma_wait3A_229 = arith.constant 0 : i32
    %dma_wait3A_230 = tpu.memref_slice %arg6[%dma_wait3A_228, %dma_wait3A_229] : memref<512x128xf32, #tpu.memory_space<vmem>> -> memref<64x128xf32, #tpu.memory_space<vmem>>
    %dma_wait3A_231 = arith.constant 384 : i32
    %dma_wait3A_232 = tpu.memref_slice %arg5[%dma_wait3A_231] : memref<512xi32, #tpu.memory_space<vmem>> -> memref<64xi32, #tpu.memory_space<vmem>>
    %dma_wait3A_233 = arith.constant 0 : i32
    %dma_wait3A_234 = arith.constant 0 : i32
    %dma_wait3A_235 = tpu.memref_slice %arg2[%dma_wait3A_233, %dma_wait3A_234] : memref<32768x128xf32, #tpu.memory_space<hbm>> -> memref<32768x128xf32, #tpu.memory_space<hbm>>
    %dma_wait3A_236 = tpu.memref_slice %arg7[%dma_wait3A_227] : memref<8x!tpu.dma_semaphore, #tpu.memory_space<semaphore_mem>> -> memref<1x!tpu.dma_semaphore, #tpu.memory_space<semaphore_mem>>
    %dma_wait3A_237 = tpu.memref_squeeze %dma_wait3A_236 : memref<1x!tpu.dma_semaphore, #tpu.memory_space<semaphore_mem>> -> memref<!tpu.dma_semaphore, #tpu.memory_space<semaphore_mem>>
    tpu.wait_indirect_dma semaphore(%dma_wait3A_237 : memref<!tpu.dma_semaphore, #tpu.memory_space<semaphore_mem>>) src(%dma_wait3A_235 : memref<32768x128xf32, #tpu.memory_space<hbm>>) dst(%dma_wait3A_230 : memref<64x128xf32, #tpu.memory_space<vmem>>)
    %add3A_238 = arith.constant 384 : i32
    %add3A_239 = arith.addi %mul3A_2, %add3A_238 : i32
    %dma_start3A_240 = arith.constant 384 : i32
    %dma_start3A_241 = arith.constant 0 : i32
    %dma_start3A_242 = tpu.memref_slice %arg6[%dma_start3A_240, %dma_start3A_241] : memref<512x128xf32, #tpu.memory_space<vmem>> -> memref<64x128xf32, #tpu.memory_space<vmem>>
    %dma_start3A_243 = arith.constant 0 : i32
    %dma_start3A_244 = tpu.memref_slice %arg4[%add3A_239, %dma_start3A_243] : memref<16384x128xf32, #tpu.memory_space<hbm>> -> memref<64x128xf32, #tpu.memory_space<hbm>>
    %dma_start3A_245 = arith.constant 0 : i32
    %dma_start3A_246 = tpu.memref_slice %arg4[%add3A_239, %dma_start3A_245] : memref<16384x128xf32, #tpu.memory_space<hbm>> -> memref<64x128xf32, #tpu.memory_space<hbm>>
    %dma_start3A_247 = arith.constant 384 : i32
    %dma_start3A_248 = arith.constant 0 : i32
    %dma_start3A_249 = tpu.memref_slice %arg6[%dma_start3A_247, %dma_start3A_248] : memref<512x128xf32, #tpu.memory_space<vmem>> -> memref<64x128xf32, #tpu.memory_space<vmem>>
    tpu.enqueue_dma source(%dma_start3A_249 : memref<64x128xf32, #tpu.memory_space<vmem>>) target(%dma_start3A_246 : memref<64x128xf32, #tpu.memory_space<hbm>>) target_semaphore(%arg8 : memref<!tpu.dma_semaphore, #tpu.memory_space<semaphore_mem>>)
    %dma_wait3A_250 = arith.constant 7 : i32
    %dma_wait3A_251 = arith.constant 448 : i32
    %dma_wait3A_252 = arith.constant 0 : i32
    %dma_wait3A_253 = tpu.memref_slice %arg6[%dma_wait3A_251, %dma_wait3A_252] : memref<512x128xf32, #tpu.memory_space<vmem>> -> memref<64x128xf32, #tpu.memory_space<vmem>>
    %dma_wait3A_254 = arith.constant 448 : i32
    %dma_wait3A_255 = tpu.memref_slice %arg5[%dma_wait3A_254] : memref<512xi32, #tpu.memory_space<vmem>> -> memref<64xi32, #tpu.memory_space<vmem>>
    %dma_wait3A_256 = arith.constant 0 : i32
    %dma_wait3A_257 = arith.constant 0 : i32
    %dma_wait3A_258 = tpu.memref_slice %arg2[%dma_wait3A_256, %dma_wait3A_257] : memref<32768x128xf32, #tpu.memory_space<hbm>> -> memref<32768x128xf32, #tpu.memory_space<hbm>>
    %dma_wait3A_259 = tpu.memref_slice %arg7[%dma_wait3A_250] : memref<8x!tpu.dma_semaphore, #tpu.memory_space<semaphore_mem>> -> memref<1x!tpu.dma_semaphore, #tpu.memory_space<semaphore_mem>>
    %dma_wait3A_260 = tpu.memref_squeeze %dma_wait3A_259 : memref<1x!tpu.dma_semaphore, #tpu.memory_space<semaphore_mem>> -> memref<!tpu.dma_semaphore, #tpu.memory_space<semaphore_mem>>
    tpu.wait_indirect_dma semaphore(%dma_wait3A_260 : memref<!tpu.dma_semaphore, #tpu.memory_space<semaphore_mem>>) src(%dma_wait3A_258 : memref<32768x128xf32, #tpu.memory_space<hbm>>) dst(%dma_wait3A_253 : memref<64x128xf32, #tpu.memory_space<vmem>>)
    %add3A_261 = arith.constant 448 : i32
    %add3A_262 = arith.addi %mul3A_2, %add3A_261 : i32
    %dma_start3A_263 = arith.constant 448 : i32
    %dma_start3A_264 = arith.constant 0 : i32
    %dma_start3A_265 = tpu.memref_slice %arg6[%dma_start3A_263, %dma_start3A_264] : memref<512x128xf32, #tpu.memory_space<vmem>> -> memref<64x128xf32, #tpu.memory_space<vmem>>
    %dma_start3A_266 = arith.constant 0 : i32
    %dma_start3A_267 = tpu.memref_slice %arg4[%add3A_262, %dma_start3A_266] : memref<16384x128xf32, #tpu.memory_space<hbm>> -> memref<64x128xf32, #tpu.memory_space<hbm>>
    %dma_start3A_268 = arith.constant 0 : i32
    %dma_start3A_269 = tpu.memref_slice %arg4[%add3A_262, %dma_start3A_268] : memref<16384x128xf32, #tpu.memory_space<hbm>> -> memref<64x128xf32, #tpu.memory_space<hbm>>
    %dma_start3A_270 = arith.constant 448 : i32
    %dma_start3A_271 = arith.constant 0 : i32
    %dma_start3A_272 = tpu.memref_slice %arg6[%dma_start3A_270, %dma_start3A_271] : memref<512x128xf32, #tpu.memory_space<vmem>> -> memref<64x128xf32, #tpu.memory_space<vmem>>
    tpu.enqueue_dma source(%dma_start3A_272 : memref<64x128xf32, #tpu.memory_space<vmem>>) target(%dma_start3A_269 : memref<64x128xf32, #tpu.memory_space<hbm>>) target_semaphore(%arg8 : memref<!tpu.dma_semaphore, #tpu.memory_space<semaphore_mem>>)
    %dma_wait3A_273 = arith.constant 0 : i32
    %dma_wait3A_274 = arith.constant 0 : i32
    %dma_wait3A_275 = tpu.memref_slice %arg6[%dma_wait3A_273, %dma_wait3A_274] : memref<512x128xf32, #tpu.memory_space<vmem>> -> memref<64x128xf32, #tpu.memory_space<vmem>>
    %dma_wait3A_276 = arith.constant 0 : i32
    %dma_wait3A_277 = tpu.memref_slice %arg4[%add3A_101, %dma_wait3A_276] : memref<16384x128xf32, #tpu.memory_space<hbm>> -> memref<64x128xf32, #tpu.memory_space<hbm>>
    %dma_wait3A_278 = arith.constant 0 : i32
    %dma_wait3A_279 = tpu.memref_slice %arg4[%add3A_101, %dma_wait3A_278] : memref<16384x128xf32, #tpu.memory_space<hbm>> -> memref<64x128xf32, #tpu.memory_space<hbm>>
    %dma_wait3A_280 = arith.constant 0 : i32
    %dma_wait3A_281 = arith.constant 0 : i32
    %dma_wait3A_282 = tpu.memref_slice %arg6[%dma_wait3A_280, %dma_wait3A_281] : memref<512x128xf32, #tpu.memory_space<vmem>> -> memref<64x128xf32, #tpu.memory_space<vmem>>
    tpu.wait_dma2 semaphore(%arg8 : memref<!tpu.dma_semaphore, #tpu.memory_space<semaphore_mem>>) src(%dma_wait3A_282 : memref<64x128xf32, #tpu.memory_space<vmem>>) dst(%dma_wait3A_279 : memref<64x128xf32, #tpu.memory_space<hbm>>)
    %dma_wait3A_283 = arith.constant 64 : i32
    %dma_wait3A_284 = arith.constant 0 : i32
    %dma_wait3A_285 = tpu.memref_slice %arg6[%dma_wait3A_283, %dma_wait3A_284] : memref<512x128xf32, #tpu.memory_space<vmem>> -> memref<64x128xf32, #tpu.memory_space<vmem>>
    %dma_wait3A_286 = arith.constant 0 : i32
    %dma_wait3A_287 = tpu.memref_slice %arg4[%add3A_124, %dma_wait3A_286] : memref<16384x128xf32, #tpu.memory_space<hbm>> -> memref<64x128xf32, #tpu.memory_space<hbm>>
    %dma_wait3A_288 = arith.constant 0 : i32
    %dma_wait3A_289 = tpu.memref_slice %arg4[%add3A_124, %dma_wait3A_288] : memref<16384x128xf32, #tpu.memory_space<hbm>> -> memref<64x128xf32, #tpu.memory_space<hbm>>
    %dma_wait3A_290 = arith.constant 64 : i32
    %dma_wait3A_291 = arith.constant 0 : i32
    %dma_wait3A_292 = tpu.memref_slice %arg6[%dma_wait3A_290, %dma_wait3A_291] : memref<512x128xf32, #tpu.memory_space<vmem>> -> memref<64x128xf32, #tpu.memory_space<vmem>>
    tpu.wait_dma2 semaphore(%arg8 : memref<!tpu.dma_semaphore, #tpu.memory_space<semaphore_mem>>) src(%dma_wait3A_292 : memref<64x128xf32, #tpu.memory_space<vmem>>) dst(%dma_wait3A_289 : memref<64x128xf32, #tpu.memory_space<hbm>>)
    %dma_wait3A_293 = arith.constant 128 : i32
    %dma_wait3A_294 = arith.constant 0 : i32
    %dma_wait3A_295 = tpu.memref_slice %arg6[%dma_wait3A_293, %dma_wait3A_294] : memref<512x128xf32, #tpu.memory_space<vmem>> -> memref<64x128xf32, #tpu.memory_space<vmem>>
    %dma_wait3A_296 = arith.constant 0 : i32
    %dma_wait3A_297 = tpu.memref_slice %arg4[%add3A_147, %dma_wait3A_296] : memref<16384x128xf32, #tpu.memory_space<hbm>> -> memref<64x128xf32, #tpu.memory_space<hbm>>
    %dma_wait3A_298 = arith.constant 0 : i32
    %dma_wait3A_299 = tpu.memref_slice %arg4[%add3A_147, %dma_wait3A_298] : memref<16384x128xf32, #tpu.memory_space<hbm>> -> memref<64x128xf32, #tpu.memory_space<hbm>>
    %dma_wait3A_300 = arith.constant 128 : i32
    %dma_wait3A_301 = arith.constant 0 : i32
    %dma_wait3A_302 = tpu.memref_slice %arg6[%dma_wait3A_300, %dma_wait3A_301] : memref<512x128xf32, #tpu.memory_space<vmem>> -> memref<64x128xf32, #tpu.memory_space<vmem>>
    tpu.wait_dma2 semaphore(%arg8 : memref<!tpu.dma_semaphore, #tpu.memory_space<semaphore_mem>>) src(%dma_wait3A_302 : memref<64x128xf32, #tpu.memory_space<vmem>>) dst(%dma_wait3A_299 : memref<64x128xf32, #tpu.memory_space<hbm>>)
    %dma_wait3A_303 = arith.constant 192 : i32
    %dma_wait3A_304 = arith.constant 0 : i32
    %dma_wait3A_305 = tpu.memref_slice %arg6[%dma_wait3A_303, %dma_wait3A_304] : memref<512x128xf32, #tpu.memory_space<vmem>> -> memref<64x128xf32, #tpu.memory_space<vmem>>
    %dma_wait3A_306 = arith.constant 0 : i32
    %dma_wait3A_307 = tpu.memref_slice %arg4[%add3A_170, %dma_wait3A_306] : memref<16384x128xf32, #tpu.memory_space<hbm>> -> memref<64x128xf32, #tpu.memory_space<hbm>>
    %dma_wait3A_308 = arith.constant 0 : i32
    %dma_wait3A_309 = tpu.memref_slice %arg4[%add3A_170, %dma_wait3A_308] : memref<16384x128xf32, #tpu.memory_space<hbm>> -> memref<64x128xf32, #tpu.memory_space<hbm>>
    %dma_wait3A_310 = arith.constant 192 : i32
    %dma_wait3A_311 = arith.constant 0 : i32
    %dma_wait3A_312 = tpu.memref_slice %arg6[%dma_wait3A_310, %dma_wait3A_311] : memref<512x128xf32, #tpu.memory_space<vmem>> -> memref<64x128xf32, #tpu.memory_space<vmem>>
    tpu.wait_dma2 semaphore(%arg8 : memref<!tpu.dma_semaphore, #tpu.memory_space<semaphore_mem>>) src(%dma_wait3A_312 : memref<64x128xf32, #tpu.memory_space<vmem>>) dst(%dma_wait3A_309 : memref<64x128xf32, #tpu.memory_space<hbm>>)
    %dma_wait3A_313 = arith.constant 256 : i32
    %dma_wait3A_314 = arith.constant 0 : i32
    %dma_wait3A_315 = tpu.memref_slice %arg6[%dma_wait3A_313, %dma_wait3A_314] : memref<512x128xf32, #tpu.memory_space<vmem>> -> memref<64x128xf32, #tpu.memory_space<vmem>>
    %dma_wait3A_316 = arith.constant 0 : i32
    %dma_wait3A_317 = tpu.memref_slice %arg4[%add3A_193, %dma_wait3A_316] : memref<16384x128xf32, #tpu.memory_space<hbm>> -> memref<64x128xf32, #tpu.memory_space<hbm>>
    %dma_wait3A_318 = arith.constant 0 : i32
    %dma_wait3A_319 = tpu.memref_slice %arg4[%add3A_193, %dma_wait3A_318] : memref<16384x128xf32, #tpu.memory_space<hbm>> -> memref<64x128xf32, #tpu.memory_space<hbm>>
    %dma_wait3A_320 = arith.constant 256 : i32
    %dma_wait3A_321 = arith.constant 0 : i32
    %dma_wait3A_322 = tpu.memref_slice %arg6[%dma_wait3A_320, %dma_wait3A_321] : memref<512x128xf32, #tpu.memory_space<vmem>> -> memref<64x128xf32, #tpu.memory_space<vmem>>
    tpu.wait_dma2 semaphore(%arg8 : memref<!tpu.dma_semaphore, #tpu.memory_space<semaphore_mem>>) src(%dma_wait3A_322 : memref<64x128xf32, #tpu.memory_space<vmem>>) dst(%dma_wait3A_319 : memref<64x128xf32, #tpu.memory_space<hbm>>)
    %dma_wait3A_323 = arith.constant 320 : i32
    %dma_wait3A_324 = arith.constant 0 : i32
    %dma_wait3A_325 = tpu.memref_slice %arg6[%dma_wait3A_323, %dma_wait3A_324] : memref<512x128xf32, #tpu.memory_space<vmem>> -> memref<64x128xf32, #tpu.memory_space<vmem>>
    %dma_wait3A_326 = arith.constant 0 : i32
    %dma_wait3A_327 = tpu.memref_slice %arg4[%add3A_216, %dma_wait3A_326] : memref<16384x128xf32, #tpu.memory_space<hbm>> -> memref<64x128xf32, #tpu.memory_space<hbm>>
    %dma_wait3A_328 = arith.constant 0 : i32
    %dma_wait3A_329 = tpu.memref_slice %arg4[%add3A_216, %dma_wait3A_328] : memref<16384x128xf32, #tpu.memory_space<hbm>> -> memref<64x128xf32, #tpu.memory_space<hbm>>
    %dma_wait3A_330 = arith.constant 320 : i32
    %dma_wait3A_331 = arith.constant 0 : i32
    %dma_wait3A_332 = tpu.memref_slice %arg6[%dma_wait3A_330, %dma_wait3A_331] : memref<512x128xf32, #tpu.memory_space<vmem>> -> memref<64x128xf32, #tpu.memory_space<vmem>>
    tpu.wait_dma2 semaphore(%arg8 : memref<!tpu.dma_semaphore, #tpu.memory_space<semaphore_mem>>) src(%dma_wait3A_332 : memref<64x128xf32, #tpu.memory_space<vmem>>) dst(%dma_wait3A_329 : memref<64x128xf32, #tpu.memory_space<hbm>>)
    %dma_wait3A_333 = arith.constant 384 : i32
    %dma_wait3A_334 = arith.constant 0 : i32
    %dma_wait3A_335 = tpu.memref_slice %arg6[%dma_wait3A_333, %dma_wait3A_334] : memref<512x128xf32, #tpu.memory_space<vmem>> -> memref<64x128xf32, #tpu.memory_space<vmem>>
    %dma_wait3A_336 = arith.constant 0 : i32
    %dma_wait3A_337 = tpu.memref_slice %arg4[%add3A_239, %dma_wait3A_336] : memref<16384x128xf32, #tpu.memory_space<hbm>> -> memref<64x128xf32, #tpu.memory_space<hbm>>
    %dma_wait3A_338 = arith.constant 0 : i32
    %dma_wait3A_339 = tpu.memref_slice %arg4[%add3A_239, %dma_wait3A_338] : memref<16384x128xf32, #tpu.memory_space<hbm>> -> memref<64x128xf32, #tpu.memory_space<hbm>>
    %dma_wait3A_340 = arith.constant 384 : i32
    %dma_wait3A_341 = arith.constant 0 : i32
    %dma_wait3A_342 = tpu.memref_slice %arg6[%dma_wait3A_340, %dma_wait3A_341] : memref<512x128xf32, #tpu.memory_space<vmem>> -> memref<64x128xf32, #tpu.memory_space<vmem>>
    tpu.wait_dma2 semaphore(%arg8 : memref<!tpu.dma_semaphore, #tpu.memory_space<semaphore_mem>>) src(%dma_wait3A_342 : memref<64x128xf32, #tpu.memory_space<vmem>>) dst(%dma_wait3A_339 : memref<64x128xf32, #tpu.memory_space<hbm>>)
    %dma_wait3A_343 = arith.constant 448 : i32
    %dma_wait3A_344 = arith.constant 0 : i32
    %dma_wait3A_345 = tpu.memref_slice %arg6[%dma_wait3A_343, %dma_wait3A_344] : memref<512x128xf32, #tpu.memory_space<vmem>> -> memref<64x128xf32, #tpu.memory_space<vmem>>
    %dma_wait3A_346 = arith.constant 0 : i32
    %dma_wait3A_347 = tpu.memref_slice %arg4[%add3A_262, %dma_wait3A_346] : memref<16384x128xf32, #tpu.memory_space<hbm>> -> memref<64x128xf32, #tpu.memory_space<hbm>>
    %dma_wait3A_348 = arith.constant 0 : i32
    %dma_wait3A_349 = tpu.memref_slice %arg4[%add3A_262, %dma_wait3A_348] : memref<16384x128xf32, #tpu.memory_space<hbm>> -> memref<64x128xf32, #tpu.memory_space<hbm>>
    %dma_wait3A_350 = arith.constant 448 : i32
    %dma_wait3A_351 = arith.constant 0 : i32
    %dma_wait3A_352 = tpu.memref_slice %arg6[%dma_wait3A_350, %dma_wait3A_351] : memref<512x128xf32, #tpu.memory_space<vmem>> -> memref<64x128xf32, #tpu.memory_space<vmem>>
    tpu.wait_dma2 semaphore(%arg8 : memref<!tpu.dma_semaphore, #tpu.memory_space<semaphore_mem>>) src(%dma_wait3A_352 : memref<64x128xf32, #tpu.memory_space<vmem>>) dst(%dma_wait3A_349 : memref<64x128xf32, #tpu.memory_space<hbm>>)
    return
  }
}

</mosaic_0001>

<sc_bundles>
// kernel: kernel.3.cloned.1.call-start
scs
__scs_entry_jumppad:
0x0: {  	(pc) =	sbr.rel $0x88, $3  }
0x1: {  	(tag) =	ssettag $0x0;
	lr =	simm.s32 $0x1  }
0x2: {  	[smem:$0x3F9F] =	sst lr;
	_ =	strace $0xD0000000  }
0x3: {  	_ = 	snop  }
0x4: {  	_ = 	snop  }
0x5: {  	_ = 	snop  }
0x6: {  	_ = 	snop  }
0x7: {  	_ = 	snop  }
__scs_overlays_trampoline_lowered:
0x8: {  	[smem:$0x3FAE] =	sst s0  }
0x9: {  	[smem:$0x3FAF] =	sst s1  }
0xa: {  	[smem:$0x3FB0] =	sst s2  }
0xb: {  	[smem:$0x3FB1] =	sst s3  }
0xc: {  	[smem:$0x3FB2] =	sst s4  }
0xd: {  	[smem:$0x3FB3] =	sst s5  }
0xe: {  	[smem:$0x3FB4] =	sst s6  }
0xf: {  	[smem:$0x3FB5] =	sst s7  }
0x10: {  	[smem:$0x3FB6] =	sst s8  }
0x11: {  	[smem:$0x3FB7] =	sst s9;
	s0 =	simm.s32 @!p0 $0x0  }
0x12: {  	s1 =	sld [smem:$0x3F9D];
	s0 =	simm.s32 @p0 $0x1  }
0x13: {  	[smem:$0x3FB8] =	sst s0;
	s0 =	simm.s32 @!p1 $0x0  }
0x14: {  	s2 =	sld [smem:$0x3F9C];
	s0 =	simm.s32 @p1 $0x1  }
0x15: {  	[smem:$0x3FB9] =	sst s0;
	s0 =	simm.s32 @!p2 $0x0  }
0x16: {  	s3 =	sld [smem:$0x3FDB];
	s0 =	simm.s32 @p2 $0x1  }
0x17: {  	s4 =	simm.s32 $0x1BF5;
	[smem:$0x3FBB] =	sst s0  }
0x18: {  	s0 =	sld [smem:$0x3F9E];
	_ =	swait.ge [sflag:s4], $0x0  }
0x19: {  	s7 =	sld [smem:$0x3F9F]  }
0x1a: {  	s8 =	sadd.s32 $0xFFFFE003, lr  }
0x1b: {  	s9 =	sadd.s32 $0xFFFFFEF7, lr;
	s5 =	simm.s32 $0xFFFFFFFF;
	p2 =	slt.u32 s8, $0xFFFFF086  }
0x1c: {  	p1 =	slt.u32 s9, $0xF7A;
	s5 =	simm.s32 @!p2 $0x0  }
0x1d: {  	s5 =	simm.s32 @p1 $0x1;
	p0 =	seq.s32 s7, s2  }
0x1e: {  	s7 =	smul.u32 @!p0 $0xF7A, s2;
	p2 =	seq.s32 @!p0 s5, $0x0  }
0x1f: {  	s9 =	smul.u32 $0xF7A, s1;
	s8 =	simm.s32 @!p0 $0x1BF5;
	p2 =	por !p2, p0  }
0x20: {  	[sflag:s8] =	ssyncset.s32 @!p0 $0xFFFFF086;
	s6 =	sadd.s32 @!p0 s3, s7;
	s7 =	simm.s32 @!p0 $0x108  }
0x21: {  	s3 =	sadd.s32 s3, s9;
	s6 =	sadd.s32 @!p0 $0x88, s6;
	s7 =	simm.s32 @p2 $0x1082  }
0x22: {  	[simem:s7], [sflag:s8] =	dma.local @!p0 [hbm:s6], $0xF7A  }
0x23: {  	s9 =	sor.u32 $0xD0000000, s2;
	s6 =	simm.s32 $0x108;
	_ =	swait.ge @!p0 [sflag:s8], $0x0  }
0x24: {  	s3 =	sadd.s32 $0x88, s3;
	s6 =	simm.s32 @!p1 $0x1082;
	[sflag:s4] =	ssyncset.s32 $0xFFFFF086  }
0x25: {  	[simem:s6], [sflag:s4] =	dma.local [hbm:s3], $0xF7A  }
0x26: {  	[smem:$0x3F9F] =	sst s1;
	(tag) =	ssettag s2;
	_ =	strace s9  }
0x27: {  	s1 =	sld [smem:$0x3FAF]  }
0x28: {  	s2 =	sld [smem:$0x3FB0]  }
0x29: {  	s4 =	sld [smem:$0x3FB2]  }
0x2a: {  	p0 =	seq.s32 s5, $0x0;
	s5 =	sld [smem:$0x3FB3]  }
0x2b: {  	s6 =	sld [smem:$0x3FB4]  }
0x2c: {  	s7 =	sld [smem:$0x3FB5]  }
0x2d: {  	s3 =	simm.s32 $0x108;
	s8 =	sld [smem:$0x3FB6]  }
0x2e: {  	s3 =	simm.s32 @!p0 $0x1082;
	s9 =	sld [smem:$0x3FB7]  }
0x2f: {  	lr =	sadd.s32 s0, s3;
	s0 =	sld [smem:$0x3FAE]  }
0x30: {  	s3 =	sld [smem:$0x3FB1]  }
0x31: {  	[smem:$0x3FBA] =	sst s10  }
0x32: {  	s10 =	sld [smem:$0x3FB8];
	_ =	sdelay $0x3  }
0x33: {  	p0 =	seq.s32 s10, $0x1;
	s10 =	sld [smem:$0x3FBA];
	_ =	sdelay $0x3  }
0x34: {  	[smem:$0x3FBA] =	sst s10  }
0x35: {  	s10 =	sld [smem:$0x3FB9];
	_ =	sdelay $0x3  }
0x36: {  	p1 =	seq.s32 s10, $0x1;
	s10 =	sld [smem:$0x3FBA];
	_ =	sdelay $0x3  }
0x37: {  	[smem:$0x3FBA] =	sst s10  }
0x38: {  	s10 =	sld [smem:$0x3FBB]  }
0x39: {  	_ = 	snop;
	(pc) =	sbr.ind lr, $3  }
0x3a: {  	_ = 	snop  }
0x3b: {  	_ = 	snop  }
0x3c: {  	p2 =	seq.s32 s10, $0x1;
	s10 =	sld [smem:$0x3FBA]  }
0x3d: {  	_ =	shalt  }
0x3e: {  	_ =	shalt  }
0x3f: {  	_ =	shalt  }
0x40: {  	_ =	shalt  }
0x41: {  	_ =	shalt  }
0x42: {  	_ =	shalt  }
0x43: {  	_ =	shalt  }
0x44: {  	_ =	shalt  }
0x45: {  	_ =	shalt  }
0x46: {  	_ =	shalt  }
0x47: {  	_ =	shalt  }
0x48: {  	_ =	shalt  }
0x49: {  	_ =	shalt  }
0x4a: {  	_ =	shalt  }
0x4b: {  	_ =	shalt  }
0x4c: {  	_ =	shalt  }
0x4d: {  	_ =	shalt  }
0x4e: {  	_ =	shalt  }
0x4f: {  	_ =	shalt  }
0x50: {  	_ =	shalt  }
0x51: {  	_ =	shalt  }
0x52: {  	_ =	shalt  }
0x53: {  	_ =	shalt  }
0x54: {  	_ =	shalt  }
0x55: {  	_ =	shalt  }
0x56: {  	_ =	shalt  }
0x57: {  	_ =	shalt  }
0x58: {  	_ =	shalt  }
0x59: {  	_ =	shalt  }
0x5a: {  	_ =	shalt  }
0x5b: {  	_ =	shalt  }
0x5c: {  	_ =	shalt  }
0x5d: {  	_ =	shalt  }
0x5e: {  	_ =	shalt  }
0x5f: {  	_ =	shalt  }
0x60: {  	_ =	shalt  }
0x61: {  	_ =	shalt  }
0x62: {  	_ =	shalt  }
0x63: {  	_ =	shalt  }
0x64: {  	_ =	shalt  }
0x65: {  	_ =	shalt  }
0x66: {  	_ =	shalt  }
0x67: {  	_ =	shalt  }
0x68: {  	_ =	shalt  }
0x69: {  	_ =	shalt  }
0x6a: {  	_ =	shalt  }
0x6b: {  	_ =	shalt  }
0x6c: {  	_ =	shalt  }
0x6d: {  	_ =	shalt  }
0x6e: {  	_ =	shalt  }
0x6f: {  	_ =	shalt  }
0x70: {  	_ =	shalt  }
0x71: {  	_ =	shalt  }
0x72: {  	_ =	shalt  }
0x73: {  	_ =	shalt  }
0x74: {  	_ =	shalt  }
0x75: {  	_ =	shalt  }
0x76: {  	_ =	shalt  }
0x77: {  	_ =	shalt  }
0x78: {  	_ =	shalt  }
0x79: {  	_ =	shalt  }
0x7a: {  	_ =	shalt  }
0x7b: {  	_ =	shalt  }
0x7c: {  	_ =	shalt  }
0x7d: {  	_ =	shalt  }
0x7e: {  	_ =	shalt  }
0x7f: {  	_ =	shalt  }
0x80: {  	_ =	shalt  }
0x81: {  	_ =	shalt  }
0x82: {  	_ =	shalt  }
0x83: {  	_ =	shalt  }
0x84: {  	_ =	shalt  }
0x85: {  	_ =	shalt  }
0x86: {  	_ =	shalt  }
0x87: {  	_ =	shalt  }
.Lfunc_end0:
.L_simem_size_0:
called_computation_lowered:
.L_overlay_start_0:
0x88: {  	s2 =	sld [smem:$0x3FD9]  }
0x89: {  	s3 =	sld [smem:$0x3FFE];
	_ =	sdelay $0x1  }
0x8a: {  	s1 =	srdreg.scid  }
0x8b: {  	s0 =	sand.u32 $0x1, s1  }
0x8c: {  	s18 =	sshll.u32 s0, $0xA;
	s2 =	sadd.s32 s3, s2  }
0x8d: {  	s2 =	sadd.s32 s2, s18  }
0x8e: {  	[smem:$0x3FC6] =	sst s2  }
0x8f: {  	_ = 	snop  }
0x90: {  	s2 =	sld [smem:$0x3FC9]  }
0x91: {  	s19 =	sld [smem:$0x3FC8]  }
0x92: {  	s4 =	sld [smem:$0x3FD0];
	(tm) =	ssettm $0x1  }
0x93: {  	s5 =	sld [smem:$0x3FFB];
	_ =	sdelay $0x3  }
0x94: {  	_ =	strace s5  }
0x95: {  	s5 =	sld [smem:$0x3FFC];
	_ =	sdelay $0x3  }
0x96: {  	_ =	strace s5  }
0x97: {  	s5 =	sld [smem:$0x3FFD];
	_ =	sdelay $0x3  }
0x98: {  	_ =	strace s5  }
0x99: {  	_ =	strace $0x8FFFFFFF  }
0x9a: {  	s20 =	sld [smem:$0x3FDB];
	_ =	sdelay $0x1  }
0x9b: {  	s6 =	simm.s32 $_scs_section_size  }
0x9c: {  	s7 =	simm.s32 $_size__tile_overlayer_lowered;
	s8 =	simm.s32 $_tile_overlayer_lowered  }
0x9d: {  	s23 =	simm.s32 $0x1BFF;
	s22 =	sshll.u32 s8, $0x1;
	s5 =	sadd.s32 s6, s20  }
0x9e: {  	s9 =	simm.s32 $0x0;
	s21 =	sshll.u32 s7, $0x1;
	s7 =	sadd.s32 s22, s5  }
0x9f: {  	[timem:s9], [sflag:s23] =	dma.local [hbm:s7], s21  }
0xa0: {  	_ =	swait.ge [sflag:s23], s21  }
0xa1: {  	s6 =	ssub.s32 $0x0, s21;
	[sflag:s23] =	ssyncset.done $0x0  }
0xa2: {  	[sflag:s23] =	ssyncadd.s32 s6;
	_ =	sdelay $0x1  }
0xa3: {  	s24 =	simm.s32 $0x1B8B  }
0xa4: {  	_ =	swait.ge [sflag:s24], $0x1  }
0xa5: {  	[sflag:s24] =	ssyncset.done $0x0  }
0xa6: {  	s25 =	simm.s32 $0x1B8E;
	[sflag:s24] =	ssyncadd.s32 $0xFFFFFFFF  }
0xa7: {  	s26 =	simm.s32 $execute0_lowered;
	[smem:$0x3FD2] =	sst s25  }
0xa8: {  	s6 =	sshll.u32 s26, $0x1;
	_ =	strace $0x80000046;
	[dreg:$0x1] =	wrdreg $0xFFFFFFFF  }
0xa9: {  	s28 =	simm.s32 $_size_execute0_lowered;
	s5 =	sadd.s32 s5, s6;
	[dreg:$0x0] =	wrdreg $0x0  }
0xaa: {  	s6 =	sshll.u32 s28, $0x1;
	[dreg:$0x2] =	wrdreg s5  }
0xab: {  	[dreg:$0x3] =	wrdreg s6  }
0xac: {  	[dreg:$0x4] =	wrdreg $0xC0  }
0xad: {  	_ =	task [dreg:s9], $0x5FFFF  }
0xae: {  	[dreg:$0x1] =	wrdreg $0xFFFFFFFF  }
0xaf: {  	[dreg:$0x0] =	wrdreg $0x60  }
0xb0: {  	[dreg:$0x2] =	wrdreg s19  }
0xb1: {  	[dreg:$0x3] =	wrdreg s2  }
0xb2: {  	[dreg:$0x4] =	wrdreg s4  }
0xb3: {  	[dreg:$0x5] =	wrdreg $0x9  }
0xb4: {  	_ =	task.clear_ibuf [dreg:s9], $0x6FFFF;
	_ =	strace $0x90000046  }
0xb5: {  	s29 =	simm.s32 $0x9;
	_ =	strace $0x80000048  }
0xb6: {  	_ =	swait.ge [sflag:s29], $0x1  }
0xb7: {  	[sflag:s29] =	ssyncadd.s32 $0xFFFFFFFF  }
0xb8: {  	_ =	strace $0x90000048  }
0xb9: {  	_ =	sfence  }
0xba: {  	s30 =	sld [smem:$0x0];
	_ =	sdelay $0x2  }
0xbb: {  	s31 =	sshll.u32 s1, $0xD;
	s1 =	sshrl.u32 s1, $0x2  }
0xbc: {  	s3 =	sand.u32 $0x4000, s31;
	s1 =	sadd.s32 s1, s30  }
0xbd: {  	s0 =	sor.u32 s3, s0;
	s1 =	sshll.u32 s1, $0x11  }
0xbe: {  	s0 =	sor.u32 s1, s0  }
0xbf: {  	s0 =	sadd.s32 $0x8F2B, s0  }
0xc0: {  	[sflag:s0] =	ssyncadd.remote.s32 $0x1  }
0xc1: {  	_ =	sfence.sel $0xFFFF  }
0xc2: {  	[dreg:$0x0] =	wrdreg $0xFFFFFFFF;
	(pc) =	sbr.abs _section_cstart, $3  }
0xc3: {  	[dreg:$0x1] =	wrdreg $0xFFFFFFFF  }
0xc4: {  	_ =	task.clear_ibuf [dreg:s9], $0x2FFFF;
	_ =	strace $0x9FFFFFFF  }
0xc5: {  	(tm) =	ssettm $0x7FFFFFFF  }
tec
execute0_lowered:
.L_overlay_start_1:
0x0: {  	(tag) =	ssettag $0x1  }
0x1: {  	s4 =	rddreg [dreg:$0x0];
	s0 =	srdreg.scid  }
0x2: {  	s1 =	rddreg [dreg:$0x1];
	s2 =	stileid.u32  }
0x3: {  	s3 =	rddreg [dreg:$0x2];
	s19 =	simm.s32 $0x40;
	s17 =	simm.s32 $0x200  }
0x4: {  	s15 =	simm.s32 $0x2200;
	s13 =	simm.s32 $0x4200;
	s11 =	simm.s32 $0x6200  }
0x5: {  	s10 =	simm.s32 $0x8200;
	s28 =	simm.s32 $0x140;
	s9 =	simm.s32 $0xA200  }
0x6: {  	s29 =	simm.s32 $0x180;
	s8 =	simm.s32 $0xC200;
	s31 =	simm.s32 $0x1C0  }
0x7: {  	s7 =	simm.s32 $0xE200;
	s30 =	simm.s32 $0x1;
	p0 =	por $0x0, $0x0  }
0x8: {  	s18 =	simm.s32 $0x5;
	s16 =	simm.s32 $0x6;
	s14 =	simm.s32 $0x7  }
0x9: {  	s0 =	sand.u32 $0x1, s0;
	s5 =	sshll.u32 s2, $0xA;
	s2 =	simm.s32 $0x0  }
0xa: {  	s12 =	simm.s32 $0x8;
	s6 =	sshll.u32 s0, $0x9;
	[smem:$0x7FF] =	sst s2  }
0xb: {  	s0 =	ssub.s32 $0x2, s0;
	s5 =	sor.u32 s6, s5;
	_ =	strace $0x80000047  }
0xc: {  	s25 =	sshrl.u32 s0, $0x1;
	s6 =	sshrl.u32 s5, $0x3;
	s5 =	sshll.u32 s5, $0x4  }
0xd: {  	s0 =	ssub.s32 s0, s25;
	s1 =	sadd.s32 s1, s6;
	s6 =	sadd.s32 s3, s5  }
0xe: {  	s25 =	simm.s32 $0xC0;
	[dreg:$0x4] =	wrdreg s1;
	s20 =	sadd.s32 $0x400, s6  }
0xf: {  	s0 =	smax.u32 s0, $0x1;
	s21 =	sadd.s32 $0x800, s6;
	[dreg:$0x5] =	wrdreg s20  }
0x10: {  	s5 =	simm.s32 $0x9;
	s22 =	sadd.s32 $0xC00, s6;
	[dreg:$0x6] =	wrdreg s21  }
0x11: {  	s23 =	sadd.s32 $0x1000, s6;
	p1 =	sne.s32 s0, $0x1;
	[dreg:$0x7] =	wrdreg s22  }
.Ltmp0:
0x12: {  	s24 =	sadd.s32 $0x1400, s6;
	[dreg:$0x8] =	wrdreg s23;
	(pc) =	sbr.rel @!p1 .LBB2_3-.Ltmp0, $4  }
0x13: {  	s26 =	sadd.s32 $0x1800, s6;
	s3 =	sadd.s32 $0x1C00, s6;
	[dreg:$0x9] =	wrdreg s24  }
0x14: {  	s1 =	sadd.s32 $0xFFFFFFFF, s0;
	[dreg:$0xa] =	wrdreg s26;
	s22 =	simm.s32 $0xA  }
0x15: {  	s23 =	simm.s32 $0x80;
	s26 =	simm.s32 $0x100;
	s24 =	simm.s32 $0x2  }
0x16: {  	s21 =	simm.s32 $0x3;
	s20 =	simm.s32 $0x4;
	s0 =	rddreg [dreg:$0x4]  }
0x17: {  	[tilespmem:s2], [sflag:$0xA] =	stream.linear.gather [hbm4b:s0+s2], $0x200, $0x38;
	[tilespmem:$0x10200] =	vst v63  }
0x18: {  	_ =	swait.ge [sflag:s22], $0x200  }
0x19: {  	[sflag:s22] =	ssyncset.done $0x0  }
0x1a: {  	[sflag:s22] =	ssyncadd.s32 $0xFFFFFE00  }
0x1b: {  	[tilespmem:s17], [sflag:$0x1] =	stream.indirect.gather [hbm4b:s4+s19], $0x80, s2, s19, $0xb8;
	[tilespmem:$0x10200] =	vst v63  }
0x1c: {  	_ = 	snop  }
0x1d: {  	[tilespmem:s15], [sflag:$0x2] =	stream.indirect.gather [hbm4b:s4+s19], $0x80, s19, s19, $0xb8;
	[tilespmem:$0x10200] =	vst v63  }
0x1e: {  	_ = 	snop  }
0x1f: {  	[tilespmem:s13], [sflag:$0x3] =	stream.indirect.gather [hbm4b:s4+s19], $0x80, s23, s19, $0xb8;
	[tilespmem:$0x10200] =	vst v63  }
0x20: {  	_ = 	snop  }
0x21: {  	[tilespmem:s11], [sflag:$0x4] =	stream.indirect.gather [hbm4b:s4+s19], $0x80, s25, s19, $0xb8;
	[tilespmem:$0x10200] =	vst v63  }
0x22: {  	_ = 	snop  }
0x23: {  	[tilespmem:s10], [sflag:$0x5] =	stream.indirect.gather [hbm4b:s4+s19], $0x80, s26, s19, $0xb8;
	[tilespmem:$0x10200] =	vst v63  }
0x24: {  	_ = 	snop  }
0x25: {  	[tilespmem:s9], [sflag:$0x6] =	stream.indirect.gather [hbm4b:s4+s19], $0x80, s28, s19, $0xb8;
	[tilespmem:$0x10200] =	vst v63  }
0x26: {  	_ = 	snop  }
0x27: {  	[tilespmem:s8], [sflag:$0x7] =	stream.indirect.gather [hbm4b:s4+s19], $0x80, s29, s19, $0xb8;
	[tilespmem:$0x10200] =	vst v63  }
0x28: {  	_ = 	snop  }
0x29: {  	[tilespmem:s7], [sflag:$0x8] =	stream.indirect.gather [hbm4b:s4+s19], $0x80, s31, s19, $0xb8;
	[tilespmem:$0x10200] =	vst v63  }
0x2a: {  	_ =	swait.ge [sflag:s30], $0x2000  }
0x2b: {  	[sflag:s30] =	ssyncset.done $0x0  }
0x2c: {  	[sflag:s30] =	ssyncadd.s32 $0xFFFFE000  }
0x2d: {  	[hbm4b:s6+s2] =	stream.linear.scatter [tilespmem:s17], [sflag:$0x9], $0x2000, $0x38;
	[tilespmem:$0x10200] =	vst v63  }
0x2e: {  	_ =	swait.ge [sflag:s24], $0x2000  }
0x2f: {  	[sflag:s24] =	ssyncset.done $0x0  }
0x30: {  	s0 =	rddreg [dreg:$0x5];
	[sflag:s24] =	ssyncadd.s32 $0xFFFFE000  }
0x31: {  	[hbm4b:s0+s2] =	stream.linear.scatter [tilespmem:s15], [sflag:$0x9], $0x2000, $0x38;
	[tilespmem:$0x10200] =	vst v63  }
0x32: {  	_ =	swait.ge [sflag:s21], $0x2000  }
0x33: {  	[sflag:s21] =	ssyncset.done $0x0  }
0x34: {  	s0 =	rddreg [dreg:$0x6];
	[sflag:s21] =	ssyncadd.s32 $0xFFFFE000  }
0x35: {  	[hbm4b:s0+s2] =	stream.linear.scatter [tilespmem:s13], [sflag:$0x9], $0x2000, $0x38;
	[tilespmem:$0x10200] =	vst v63  }
0x36: {  	_ =	swait.ge [sflag:s20], $0x2000  }
0x37: {  	[sflag:s20] =	ssyncset.done $0x0  }
0x38: {  	s0 =	rddreg [dreg:$0x7];
	[sflag:s20] =	ssyncadd.s32 $0xFFFFE000  }
0x39: {  	[hbm4b:s0+s2] =	stream.linear.scatter [tilespmem:s11], [sflag:$0x9], $0x2000, $0x38;
	[tilespmem:$0x10200] =	vst v63  }
0x3a: {  	_ =	swait.ge [sflag:s18], $0x2000  }
0x3b: {  	[sflag:s18] =	ssyncset.done $0x0  }
0x3c: {  	s0 =	rddreg [dreg:$0x8];
	[sflag:s18] =	ssyncadd.s32 $0xFFFFE000  }
0x3d: {  	[hbm4b:s0+s2] =	stream.linear.scatter [tilespmem:s10], [sflag:$0x9], $0x2000, $0x38;
	[tilespmem:$0x10200] =	vst v63  }
0x3e: {  	_ =	swait.ge [sflag:s16], $0x2000  }
0x3f: {  	[sflag:s16] =	ssyncset.done $0x0  }
0x40: {  	s0 =	rddreg [dreg:$0x9];
	[sflag:s16] =	ssyncadd.s32 $0xFFFFE000  }
0x41: {  	[hbm4b:s0+s2] =	stream.linear.scatter [tilespmem:s9], [sflag:$0x9], $0x2000, $0x38;
	[tilespmem:$0x10200] =	vst v63  }
0x42: {  	_ =	swait.ge [sflag:s14], $0x2000  }
0x43: {  	[sflag:s14] =	ssyncset.done $0x0  }
0x44: {  	s0 =	rddreg [dreg:$0xa];
	[sflag:s14] =	ssyncadd.s32 $0xFFFFE000  }
0x45: {  	[hbm4b:s0+s2] =	stream.linear.scatter [tilespmem:s8], [sflag:$0x9], $0x2000, $0x38;
	[tilespmem:$0x10200] =	vst v63  }
0x46: {  	_ =	swait.ge [sflag:s12], $0x2000  }
0x47: {  	[sflag:s12] =	ssyncset.done $0x0  }
0x48: {  	[sflag:s12] =	ssyncadd.s32 $0xFFFFE000  }
0x49: {  	[hbm4b:s3+s2] =	stream.linear.scatter [tilespmem:s7], [sflag:$0x9], $0x2000, $0x38;
	[tilespmem:$0x10200] =	vst v63  }
0x4a: {  	_ =	swait.ge [sflag:s5], $0x2000  }
0x4b: {  	[sflag:s5] =	ssyncset.done $0x0  }
0x4c: {  	[sflag:s5] =	ssyncadd.s32 $0xFFFFE000  }
0x4d: {  	_ =	swait.ge [sflag:s5], $0x2000  }
0x4e: {  	[sflag:s5] =	ssyncset.done $0x0  }
0x4f: {  	[sflag:s5] =	ssyncadd.s32 $0xFFFFE000  }
0x50: {  	_ =	swait.ge [sflag:s5], $0x2000  }
0x51: {  	[sflag:s5] =	ssyncset.done $0x0  }
0x52: {  	[sflag:s5] =	ssyncadd.s32 $0xFFFFE000  }
0x53: {  	_ =	swait.ge [sflag:s5], $0x2000  }
0x54: {  	[sflag:s5] =	ssyncset.done $0x0  }
0x55: {  	[sflag:s5] =	ssyncadd.s32 $0xFFFFE000  }
0x56: {  	_ =	swait.ge [sflag:s5], $0x2000  }
0x57: {  	[sflag:s5] =	ssyncset.done $0x0  }
0x58: {  	[sflag:s5] =	ssyncadd.s32 $0xFFFFE000  }
0x59: {  	_ =	swait.ge [sflag:s5], $0x2000  }
0x5a: {  	[sflag:s5] =	ssyncset.done $0x0  }
0x5b: {  	p1 =	sne.s32 s1, $0x1;
	[sflag:s5] =	ssyncadd.s32 $0xFFFFE000  }
.Ltmp1:
0x5c: {  	_ =	swait.ge [sflag:s5], $0x2000;
	(pc) =	sbr.rel @!p1 .LBB2_3-.Ltmp1, $4  }
0x5d: {  	[sflag:s5] =	ssyncset.done $0x0  }
0x5e: {  	[sflag:s5] =	ssyncadd.s32 $0xFFFFE000  }
0x5f: {  	s1 =	sadd.s32 $0xFFFFFFFF, s1;
	_ =	swait.ge [sflag:s5], $0x2000  }
0x60: {  	p0 =	por $0x1, $0x1;
	s0 =	rddreg [dreg:$0x4];
	[sflag:s5] =	ssyncset.done $0x0  }
.LBB2_2:
0x61: {  	[sflag:s5] =	ssyncadd.s32 $0xFFFFE000  }
0x62: {  	[tilespmem:s2], [sflag:$0xA] =	stream.linear.gather [hbm4b:s0+s2], $0x200, $0x38;
	[tilespmem:$0x10200] =	vst v63  }
0x63: {  	_ =	swait.ge [sflag:s22], $0x200  }
0x64: {  	[sflag:s22] =	ssyncset.done $0x0  }
0x65: {  	[sflag:s22] =	ssyncadd.s32 $0xFFFFFE00  }
0x66: {  	[tilespmem:s17], [sflag:$0x1] =	stream.indirect.gather [hbm4b:s4+s19], $0x80, s2, s19, $0xb8;
	[tilespmem:$0x10200] =	vst v63  }
0x67: {  	_ = 	snop  }
0x68: {  	[tilespmem:s15], [sflag:$0x2] =	stream.indirect.gather [hbm4b:s4+s19], $0x80, s19, s19, $0xb8;
	[tilespmem:$0x10200] =	vst v63  }
0x69: {  	_ = 	snop  }
0x6a: {  	[tilespmem:s13], [sflag:$0x3] =	stream.indirect.gather [hbm4b:s4+s19], $0x80, s23, s19, $0xb8;
	[tilespmem:$0x10200] =	vst v63  }
0x6b: {  	_ = 	snop  }
0x6c: {  	[tilespmem:s11], [sflag:$0x4] =	stream.indirect.gather [hbm4b:s4+s19], $0x80, s25, s19, $0xb8;
	[tilespmem:$0x10200] =	vst v63  }
0x6d: {  	_ = 	snop  }
0x6e: {  	[tilespmem:s10], [sflag:$0x5] =	stream.indirect.gather [hbm4b:s4+s19], $0x80, s26, s19, $0xb8;
	[tilespmem:$0x10200] =	vst v63  }
0x6f: {  	_ = 	snop  }
0x70: {  	[tilespmem:s9], [sflag:$0x6] =	stream.indirect.gather [hbm4b:s4+s19], $0x80, s28, s19, $0xb8;
	[tilespmem:$0x10200] =	vst v63  }
0x71: {  	_ = 	snop  }
0x72: {  	[tilespmem:s8], [sflag:$0x7] =	stream.indirect.gather [hbm4b:s4+s19], $0x80, s29, s19, $0xb8;
	[tilespmem:$0x10200] =	vst v63  }
0x73: {  	_ = 	snop  }
0x74: {  	[tilespmem:s7], [sflag:$0x8] =	stream.indirect.gather [hbm4b:s4+s19], $0x80, s31, s19, $0xb8;
	[tilespmem:$0x10200] =	vst v63  }
0x75: {  	_ =	swait.ge [sflag:s30], $0x2000  }
0x76: {  	[sflag:s30] =	ssyncset.done $0x0  }
0x77: {  	[sflag:s30] =	ssyncadd.s32 $0xFFFFE000  }
0x78: {  	[hbm4b:s6+s2] =	stream.linear.scatter [tilespmem:s17], [sflag:$0x9], $0x2000, $0x38;
	[tilespmem:$0x10200] =	vst v63  }
0x79: {  	_ =	swait.ge [sflag:s24], $0x2000  }
0x7a: {  	[sflag:s24] =	ssyncset.done $0x0  }
0x7b: {  	s0 =	rddreg [dreg:$0x5];
	[sflag:s24] =	ssyncadd.s32 $0xFFFFE000  }
0x7c: {  	[hbm4b:s0+s2] =	stream.linear.scatter [tilespmem:s15], [sflag:$0x9], $0x2000, $0x38;
	[tilespmem:$0x10200] =	vst v63  }
0x7d: {  	_ =	swait.ge [sflag:s21], $0x2000  }
0x7e: {  	[sflag:s21] =	ssyncset.done $0x0  }
0x7f: {  	s0 =	rddreg [dreg:$0x6];
	[sflag:s21] =	ssyncadd.s32 $0xFFFFE000  }
0x80: {  	[hbm4b:s0+s2] =	stream.linear.scatter [tilespmem:s13], [sflag:$0x9], $0x2000, $0x38;
	[tilespmem:$0x10200] =	vst v63  }
0x81: {  	_ =	swait.ge [sflag:s20], $0x2000  }
0x82: {  	[sflag:s20] =	ssyncset.done $0x0  }
0x83: {  	s0 =	rddreg [dreg:$0x7];
	[sflag:s20] =	ssyncadd.s32 $0xFFFFE000  }
0x84: {  	[hbm4b:s0+s2] =	stream.linear.scatter [tilespmem:s11], [sflag:$0x9], $0x2000, $0x38;
	[tilespmem:$0x10200] =	vst v63  }
0x85: {  	_ =	swait.ge [sflag:s18], $0x2000  }
0x86: {  	[sflag:s18] =	ssyncset.done $0x0  }
0x87: {  	s0 =	rddreg [dreg:$0x8];
	[sflag:s18] =	ssyncadd.s32 $0xFFFFE000  }
0x88: {  	[hbm4b:s0+s2] =	stream.linear.scatter [tilespmem:s10], [sflag:$0x9], $0x2000, $0x38;
	[tilespmem:$0x10200] =	vst v63  }
0x89: {  	_ =	swait.ge [sflag:s16], $0x2000  }
0x8a: {  	[sflag:s16] =	ssyncset.done $0x0  }
0x8b: {  	s0 =	rddreg [dreg:$0x9];
	[sflag:s16] =	ssyncadd.s32 $0xFFFFE000  }
0x8c: {  	[hbm4b:s0+s2] =	stream.linear.scatter [tilespmem:s9], [sflag:$0x9], $0x2000, $0x38;
	[tilespmem:$0x10200] =	vst v63  }
0x8d: {  	_ =	swait.ge [sflag:s14], $0x2000  }
0x8e: {  	[sflag:s14] =	ssyncset.done $0x0  }
0x8f: {  	s0 =	rddreg [dreg:$0xa];
	[sflag:s14] =	ssyncadd.s32 $0xFFFFE000  }
0x90: {  	[hbm4b:s0+s2] =	stream.linear.scatter [tilespmem:s8], [sflag:$0x9], $0x2000, $0x38;
	[tilespmem:$0x10200] =	vst v63  }
0x91: {  	_ =	swait.ge [sflag:s12], $0x2000  }
0x92: {  	[sflag:s12] =	ssyncset.done $0x0  }
0x93: {  	[sflag:s12] =	ssyncadd.s32 $0xFFFFE000  }
0x94: {  	[hbm4b:s3+s2] =	stream.linear.scatter [tilespmem:s7], [sflag:$0x9], $0x2000, $0x38;
	[tilespmem:$0x10200] =	vst v63  }
0x95: {  	_ =	swait.ge [sflag:s5], $0x2000  }
0x96: {  	[sflag:s5] =	ssyncset.done $0x0  }
0x97: {  	[sflag:s5] =	ssyncadd.s32 $0xFFFFE000  }
0x98: {  	_ =	swait.ge [sflag:s5], $0x2000  }
0x99: {  	[sflag:s5] =	ssyncset.done $0x0  }
0x9a: {  	[sflag:s5] =	ssyncadd.s32 $0xFFFFE000  }
0x9b: {  	_ =	swait.ge [sflag:s5], $0x2000  }
0x9c: {  	[sflag:s5] =	ssyncset.done $0x0  }
0x9d: {  	[sflag:s5] =	ssyncadd.s32 $0xFFFFE000  }
0x9e: {  	_ =	swait.ge [sflag:s5], $0x2000  }
0x9f: {  	[sflag:s5] =	ssyncset.done $0x0  }
0xa0: {  	[sflag:s5] =	ssyncadd.s32 $0xFFFFE000  }
0xa1: {  	_ =	swait.ge [sflag:s5], $0x2000  }
0xa2: {  	[sflag:s5] =	ssyncset.done $0x0  }
0xa3: {  	[sflag:s5] =	ssyncadd.s32 $0xFFFFE000  }
0xa4: {  	_ =	swait.ge [sflag:s5], $0x2000  }
0xa5: {  	[sflag:s5] =	ssyncset.done $0x0  }
0xa6: {  	p1 =	sne.s32 s1, $0x1;
	[sflag:s5] =	ssyncadd.s32 $0xFFFFE000  }
.Ltmp2:
0xa7: {  	_ =	swait.ge [sflag:s5], $0x2000;
	(pc) =	sbr.rel @p1 .LBB2_2-.Ltmp2, $4  }
0xa8: {  	[sflag:s5] =	ssyncset.done $0x0  }
0xa9: {  	[sflag:s5] =	ssyncadd.s32 $0xFFFFE000  }
0xaa: {  	_ =	swait.ge [sflag:s5], $0x2000  }
0xab: {  	s1 =	sadd.s32 $0xFFFFFFFF, s1;
	s0 =	rddreg [dreg:$0x4];
	[sflag:s5] =	ssyncset.done $0x0  }
.LBB2_3:
0xac: {  	[sflag:s5] =	ssyncadd.s32 @p0 $0xFFFFE000  }
0xad: {  	[tilespmem:s2], [sflag:$0xA] =	stream.linear.gather [hbm4b:s0+s2], $0x200, $0x38;
	[tilespmem:$0x10200] =	vst v63  }
0xae: {  	_ =	swait.ge [sflag:s22], $0x200  }
0xaf: {  	[sflag:s22] =	ssyncset.done $0x0  }
0xb0: {  	[sflag:s22] =	ssyncadd.s32 $0xFFFFFE00  }
0xb1: {  	[tilespmem:s17], [sflag:$0x1] =	stream.indirect.gather [hbm4b:s4+s19], $0x80, s2, s19, $0xb8;
	[tilespmem:$0x10200] =	vst v63  }
0xb2: {  	_ = 	snop  }
0xb3: {  	[tilespmem:s15], [sflag:$0x2] =	stream.indirect.gather [hbm4b:s4+s19], $0x80, s19, s19, $0xb8;
	[tilespmem:$0x10200] =	vst v63  }
0xb4: {  	_ = 	snop  }
0xb5: {  	[tilespmem:s13], [sflag:$0x3] =	stream.indirect.gather [hbm4b:s4+s19], $0x80, s23, s19, $0xb8;
	[tilespmem:$0x10200] =	vst v63  }
0xb6: {  	_ = 	snop  }
0xb7: {  	[tilespmem:s11], [sflag:$0x4] =	stream.indirect.gather [hbm4b:s4+s19], $0x80, s25, s19, $0xb8;
	[tilespmem:$0x10200] =	vst v63  }
0xb8: {  	_ = 	snop  }
0xb9: {  	[tilespmem:s10], [sflag:$0x5] =	stream.indirect.gather [hbm4b:s4+s19], $0x80, s26, s19, $0xb8;
	[tilespmem:$0x10200] =	vst v63  }
0xba: {  	_ = 	snop  }
0xbb: {  	[tilespmem:s9], [sflag:$0x6] =	stream.indirect.gather [hbm4b:s4+s19], $0x80, s28, s19, $0xb8;
	[tilespmem:$0x10200] =	vst v63  }
0xbc: {  	_ = 	snop  }
0xbd: {  	[tilespmem:s8], [sflag:$0x7] =	stream.indirect.gather [hbm4b:s4+s19], $0x80, s29, s19, $0xb8;
	[tilespmem:$0x10200] =	vst v63  }
0xbe: {  	_ = 	snop  }
0xbf: {  	[tilespmem:s7], [sflag:$0x8] =	stream.indirect.gather [hbm4b:s4+s19], $0x80, s31, s19, $0xb8;
	[tilespmem:$0x10200] =	vst v63  }
0xc0: {  	_ =	swait.ge [sflag:s30], $0x2000  }
0xc1: {  	[sflag:s30] =	ssyncset.done $0x0  }
0xc2: {  	[sflag:s30] =	ssyncadd.s32 $0xFFFFE000  }
0xc3: {  	[hbm4b:s6+s2] =	stream.linear.scatter [tilespmem:s17], [sflag:$0x9], $0x2000, $0x38;
	[tilespmem:$0x10200] =	vst v63  }
0xc4: {  	_ =	swait.ge [sflag:s24], $0x2000  }
0xc5: {  	[sflag:s24] =	ssyncset.done $0x0  }
0xc6: {  	s23 =	rddreg [dreg:$0x5];
	[sflag:s24] =	ssyncadd.s32 $0xFFFFE000  }
0xc7: {  	[hbm4b:s23+s2] =	stream.linear.scatter [tilespmem:s15], [sflag:$0x9], $0x2000, $0x38;
	[tilespmem:$0x10200] =	vst v63  }
0xc8: {  	_ =	swait.ge [sflag:s21], $0x2000  }
0xc9: {  	[sflag:s21] =	ssyncset.done $0x0  }
0xca: {  	s25 =	rddreg [dreg:$0x6];
	[sflag:s21] =	ssyncadd.s32 $0xFFFFE000  }
0xcb: {  	[hbm4b:s25+s2] =	stream.linear.scatter [tilespmem:s13], [sflag:$0x9], $0x2000, $0x38;
	[tilespmem:$0x10200] =	vst v63  }
0xcc: {  	_ =	swait.ge [sflag:s20], $0x2000  }
0xcd: {  	[sflag:s20] =	ssyncset.done $0x0  }
0xce: {  	s26 =	rddreg [dreg:$0x7];
	[sflag:s20] =	ssyncadd.s32 $0xFFFFE000  }
0xcf: {  	[hbm4b:s26+s2] =	stream.linear.scatter [tilespmem:s11], [sflag:$0x9], $0x2000, $0x38;
	[tilespmem:$0x10200] =	vst v63  }
0xd0: {  	_ =	swait.ge [sflag:s18], $0x2000  }
0xd1: {  	[sflag:s18] =	ssyncset.done $0x0  }
0xd2: {  	s28 =	rddreg [dreg:$0x8];
	[sflag:s18] =	ssyncadd.s32 $0xFFFFE000  }
0xd3: {  	[hbm4b:s28+s2] =	stream.linear.scatter [tilespmem:s10], [sflag:$0x9], $0x2000, $0x38;
	[tilespmem:$0x10200] =	vst v63  }
0xd4: {  	_ =	swait.ge [sflag:s16], $0x2000  }
0xd5: {  	[sflag:s16] =	ssyncset.done $0x0  }
0xd6: {  	s29 =	rddreg [dreg:$0x9];
	[sflag:s16] =	ssyncadd.s32 $0xFFFFE000  }
0xd7: {  	[hbm4b:s29+s2] =	stream.linear.scatter [tilespmem:s9], [sflag:$0x9], $0x2000, $0x38;
	[tilespmem:$0x10200] =	vst v63  }
0xd8: {  	_ =	swait.ge [sflag:s14], $0x2000  }
0xd9: {  	[sflag:s14] =	ssyncset.done $0x0  }
0xda: {  	s30 =	rddreg [dreg:$0xa];
	[sflag:s14] =	ssyncadd.s32 $0xFFFFE000  }
0xdb: {  	[hbm4b:s30+s2] =	stream.linear.scatter [tilespmem:s8], [sflag:$0x9], $0x2000, $0x38;
	[tilespmem:$0x10200] =	vst v63  }
0xdc: {  	_ =	swait.ge [sflag:s12], $0x2000  }
0xdd: {  	[sflag:s12] =	ssyncset.done $0x0  }
0xde: {  	[sflag:s12] =	ssyncadd.s32 $0xFFFFE000  }
0xdf: {  	[hbm4b:s3+s2] =	stream.linear.scatter [tilespmem:s7], [sflag:$0x9], $0x2000, $0x38;
	[tilespmem:$0x10200] =	vst v63  }
0xe0: {  	_ =	swait.ge [sflag:s5], $0x2000  }
0xe1: {  	[sflag:s5] =	ssyncset.done $0x0  }
0xe2: {  	[sflag:s5] =	ssyncadd.s32 $0xFFFFE000  }
0xe3: {  	_ =	swait.ge [sflag:s5], $0x2000  }
0xe4: {  	[sflag:s5] =	ssyncset.done $0x0  }
0xe5: {  	[sflag:s5] =	ssyncadd.s32 $0xFFFFE000  }
0xe6: {  	_ =	swait.ge [sflag:s5], $0x2000  }
0xe7: {  	[sflag:s5] =	ssyncset.done $0x0  }
0xe8: {  	[sflag:s5] =	ssyncadd.s32 $0xFFFFE000  }
0xe9: {  	_ =	swait.ge [sflag:s5], $0x2000  }
0xea: {  	[sflag:s5] =	ssyncset.done $0x0  }
0xeb: {  	[sflag:s5] =	ssyncadd.s32 $0xFFFFE000  }
0xec: {  	_ =	swait.ge [sflag:s5], $0x2000  }
0xed: {  	[sflag:s5] =	ssyncset.done $0x0  }
0xee: {  	[sflag:s5] =	ssyncadd.s32 $0xFFFFE000  }
0xef: {  	_ =	swait.ge [sflag:s5], $0x2000  }
0xf0: {  	[sflag:s5] =	ssyncset.done $0x0  }
0xf1: {  	[sflag:s5] =	ssyncadd.s32 $0xFFFFE000  }
0xf2: {  	_ =	swait.ge [sflag:s5], $0x2000  }
0xf3: {  	[sflag:s5] =	ssyncset.done $0x0  }
0xf4: {  	[sflag:s5] =	ssyncadd.s32 $0xFFFFE000  }
0xf5: {  	_ =	swait.ge [sflag:s5], $0x2000  }
0xf6: {  	[sflag:s5] =	ssyncset.done $0x0  }
0xf7: {  	[sflag:s5] =	ssyncadd.s32 $0xFFFFE000  }
0xf8: {  	_ =	sfence.sel $0x180000  }
0xf9: {  	[bflag:$0x0] =	sbarrier.arrive $0xFFFF  }
0xfa: {  	_ =	strace $0x90000047  }
0xfb: {  	s31 =	stileid.u32;
	[bflag:$0x2] =	sbarrier.arrive $0xFFFF  }
0xfc: {  	p0 =	sne.s32 s31, $0x0;
	s0 =	rddreg [dreg:$0x3]  }
0xfd: {  	s0 =	sadd.s32 @!p0 $0x100000, s0  }
0xfe: {  	[sflag:s0] =	ssyncadd.tile.s32 @!p0 $0x1;
	_ =	shalt  }
.Lfunc_end2:
_tile_overlayer_lowered:
.L_overlay_start_2:
0xff: {  	(tag) =	ssettag $0x2  }
0x100: {  	s0 =	rddreg [dreg:$0x0];
	s2 =	stileid.u32  }
0x101: {  	s1 =	rddreg [dreg:$0x1];
	p0 =	sne.s32 s2, $0x0  }
0x102: {  	s3 =	rddreg [dreg:$0x2];
	[bflag:$0x3] =	sbarrier.arrive $0xFFFF;
	s2 =	simm.s32 @!p0 $0x1C0A  }
0x103: {  	[timem:s3], [sflag:s2] =	dma.local @!p0 [hbm:s0], s1  }
0x104: {  	s0 =	simm.s32 @!p0 $0xA  }
0x105: {  	_ =	swait.ge @!p0 [sflag:s0], s1  }
0x106: {  	s1 =	ssub.s32 @!p0 $0x0, s1;
	[sflag:s0] =	ssyncset.done @!p0 $0x0  }
0x107: {  	[sflag:s0] =	ssyncadd.s32 @!p0 s1  }
0x108: {  	[bflag:$0x3] =	sbarrier.arrive $0xFFFF  }
0x109: {  	_ =	shalt  }

</sc_bundles>
